<compile_context>
chip_gen: v7x
topology: tpu7x:2x2x1
jax: 0.10.2.dev20260603
libtpu: 0.0.44.dev20260713+nightly
codegen_flags: <defaults>
</compile_context>

<pallas_src>
import functools

import jax
import jax.numpy as jnp
from jax import lax
from jax.experimental import pallas as pl
from jax.experimental.pallas import tpu as pltpu
from jax.experimental.pallas import tpu_sc as plsc

E = 16
S = 2048
D = 768
BLK = 256
NB = S // BLK
NP = 24
NW = 32
CH = S // NW

_HIGHEST = lax.Precision.HIGHEST


def _row2col(x_row, n):
    eye = (lax.broadcasted_iota(jnp.int32, (n, n), 0) ==
           lax.broadcasted_iota(jnp.int32, (n, n), 1))
    return jnp.sum(jnp.where(eye, x_row, 0.0), axis=1, keepdims=True)


def _gate_meta_body(x_ref, wg_ref, pos_ref, meta_ref, loss_ref):
    x = x_ref[...]
    wg = wg_ref[...]
    logits = lax.dot_general(x, wg, (((1,), (1,)), ((), ())),
                             preferred_element_type=jnp.float32)
    m = jnp.max(logits, axis=-1, keepdims=True)
    ex = jnp.exp(logits - m)
    se = jnp.sum(ex, axis=-1, keepdims=True)
    sm = ex / se
    z = m + jnp.log(se)
    rzl = jnp.mean(jnp.square(z))

    vmax = jnp.max(sm, axis=-1, keepdims=True)
    eio = lax.broadcasted_iota(jnp.int32, (S, E), 1)
    sel = jnp.min(jnp.where(sm == vmax, eio, E), axis=-1, keepdims=True)
    onehot = (eio == sel).astype(jnp.int32)

    cum = onehot
    k = 1
    while k < S:
        cum = cum + jnp.concatenate(
            [jnp.zeros((k, E), jnp.int32), cum[:S - k]], axis=0)
        k *= 2
    counts = cum[S - 1:S, :]
    rank = jnp.sum(jnp.where(onehot == 1, cum, 0), axis=-1, keepdims=True) - 1

    proxy = jnp.mean(sm, axis=0, keepdims=True)
    density = counts.astype(jnp.float32) / float(S)
    balance = jnp.sum(proxy * density) * float(E)

    tri_e = (lax.broadcasted_iota(jnp.int32, (E, E), 0) <
             lax.broadcasted_iota(jnp.int32, (E, E), 1)).astype(jnp.float32)
    cf = counts.astype(jnp.float32)
    offs = lax.dot_general(cf, tri_e, (((1,), (0,)), ((), ())),
                           preferred_element_type=jnp.float32,
                           precision=_HIGHEST)
    ends = offs + cf

    offs_tok = jnp.sum(jnp.where(onehot == 1, offs, 0.0), axis=-1,
                       keepdims=True)
    pos_ref[...] = offs_tok.astype(jnp.int32) + rank

    bio = lax.broadcasted_iota(jnp.int32, (NB, E), 0).astype(jnp.float32)
    lo = bio * float(BLK)
    hi = lo + float(BLK)
    mbe = jnp.logical_and(offs < hi, ends > lo)
    mf = mbe.astype(jnp.float32)
    rc = lax.dot_general(mf, tri_e, (((1,), (0,)), ((), ())),
                         preferred_element_type=jnp.float32,
                         precision=_HIGHEST)
    rowsum = jnp.sum(mf, axis=-1, keepdims=True)
    tri_b = (lax.broadcasted_iota(jnp.int32, (NB, NB), 0) <
             lax.broadcasted_iota(jnp.int32, (NB, NB), 1)).astype(jnp.float32)
    rowoff = lax.dot_general(tri_b, rowsum, (((0,), (0,)), ((), ())),
                             preferred_element_type=jnp.float32,
                             precision=_HIGHEST)
    ci = rc + rowoff
    npairs = jnp.sum(mf)
    firstf = (rc == 0.0).astype(jnp.float32)

    pio = lax.broadcasted_iota(jnp.int32, (E, NP), 1).astype(jnp.float32)
    evals = lax.broadcasted_iota(jnp.int32, (1, E), 1).astype(jnp.float32)
    mb = jnp.zeros((1, NP), jnp.float32)
    me = jnp.zeros((1, NP), jnp.float32)
    mfirst = jnp.zeros((1, NP), jnp.float32)
    for b in range(NB):
        ci_col = _row2col(ci[b:b + 1, :], E)
        m_col = _row2col(mf[b:b + 1, :], E)
        ind = jnp.where(jnp.logical_and(ci_col == pio, m_col > 0.0), 1.0, 0.0)
        mb = mb + float(b) * jnp.sum(ind, axis=0, keepdims=True)
        me = me + lax.dot_general(evals, ind, (((1,), (0,)), ((), ())),
                                  preferred_element_type=jnp.float32,
                                  precision=_HIGHEST)
        mfirst = mfirst + lax.dot_general(
            firstf[b:b + 1, :], ind, (((1,), (0,)), ((), ())),
            preferred_element_type=jnp.float32, precision=_HIGHEST)

    iota_np = lax.broadcasted_iota(jnp.int32, (1, NP), 1).astype(jnp.float32)
    validv = (iota_np < npairs).astype(jnp.int32)
    lastsel = iota_np == (npairs - 1.0)
    lastb = jnp.sum(jnp.where(lastsel, mb, 0.0))
    laste = jnp.sum(jnp.where(lastsel, me, 0.0))
    mb = jnp.where(validv == 1, mb, lastb)
    me = jnp.where(validv == 1, me, laste)
    mfirst = jnp.where(validv == 1, mfirst, 0.0)

    offs_pad = jnp.concatenate(
        [offs, jnp.full((1, NP - E), float(S), jnp.float32)], axis=1)
    zrow = jnp.zeros((1, NP), jnp.float32)
    meta = jnp.concatenate(
        [mb, me, mfirst, validv.astype(jnp.float32), offs_pad,
         zrow, zrow, zrow], axis=0)
    meta_ref[...] = meta.astype(jnp.int32)

    loss_ref[...] = jnp.concatenate(
        [jnp.reshape(balance, (1, 1)), jnp.reshape(rzl, (1, 1))], axis=1)


def _mlp_body(meta_ref, xs_ref, w1_ref, b1_ref, w2_ref, b2_ref, ys_ref):
    t = pl.program_id(0)
    b = meta_ref[0, t]
    e = meta_ref[1, t]
    first = meta_ref[2, t]
    valid = meta_ref[3, t]
    off0 = meta_ref[4, e]
    off1 = meta_ref[4, e + 1]
    x = xs_ref[...]
    h = lax.dot_general(x, w1_ref[0], (((1,), (1,)), ((), ())),
                        preferred_element_type=jnp.float32) + b1_ref[0]
    h = 0.5 * h * (1.0 + lax.erf(h * 0.7071067811865476))
    o = lax.dot_general(h, w2_ref[0], (((1,), (1,)), ((), ())),
                        preferred_element_type=jnp.float32) + b2_ref[0]
    r = b * BLK + lax.broadcasted_iota(jnp.int32, (BLK, 1), 0)
    memb = jnp.logical_and(jnp.logical_and(r >= off0, r < off1), valid > 0)
    contrib = jnp.where(memb, o, 0.0)

    @pl.when(first == 1)
    def _():
        ys_ref[...] = contrib

    @pl.when(first == 0)
    def _():
        ys_ref[...] = ys_ref[...] + contrib


@functools.cache
def _sc_kernels():
    mesh = plsc.VectorSubcoreMesh(core_axis_name="c", subcore_axis_name="s")
    common = dict(
        out_type=jax.ShapeDtypeStruct((S, D), jnp.float32),
        mesh=mesh,
        scratch_types=[pltpu.VMEM((CH,), jnp.int32),
                       pltpu.VMEM((CH, D), jnp.float32),
                       pltpu.SemaphoreType.DMA],
    )

    @functools.partial(pl.kernel, **common)
    def scatter_rows(x_hbm, pos_hbm, out_hbm, idx_v, rows_v, sem):
        wid = lax.axis_index("s") * 2 + lax.axis_index("c")
        base = wid * CH
        pltpu.sync_copy(pos_hbm.at[pl.ds(base, CH)], idx_v)
        pltpu.sync_copy(x_hbm.at[pl.ds(base, CH)], rows_v)
        pltpu.async_copy(rows_v, out_hbm.at[idx_v], sem).wait()

    @functools.partial(pl.kernel, **common)
    def gather_rows(ys_hbm, pos_hbm, out_hbm, idx_v, rows_v, sem):
        wid = lax.axis_index("s") * 2 + lax.axis_index("c")
        base = wid * CH
        pltpu.sync_copy(pos_hbm.at[pl.ds(base, CH)], idx_v)
        pltpu.async_copy(ys_hbm.at[idx_v], rows_v, sem).wait()
        pltpu.sync_copy(rows_v, out_hbm.at[pl.ds(base, CH)])

    return scatter_rows, gather_rows


def kernel(x_img, text, Wg, W1, b1, W2, b2):
    del text
    x = x_img.reshape(S, D)

    pos2, meta, losses = pl.pallas_call(
        _gate_meta_body,
        out_shape=[
            jax.ShapeDtypeStruct((S, 1), jnp.int32),
            jax.ShapeDtypeStruct((8, NP), jnp.int32),
            jax.ShapeDtypeStruct((1, 2), jnp.float32),
        ],
    )(x, Wg)
    pos = pos2.reshape(S)

    scatter_rows, gather_rows = _sc_kernels()
    xs = scatter_rows(x, pos)

    ys = pl.pallas_call(
        _mlp_body,
        grid_spec=pltpu.PrefetchScalarGridSpec(
            num_scalar_prefetch=1,
            grid=(NP,),
            in_specs=[
                pl.BlockSpec((BLK, D), lambda t, m: (m[0, t], 0)),
                pl.BlockSpec((1, D, D), lambda t, m: (m[1, t], 0, 0)),
                pl.BlockSpec((1, 1, D), lambda t, m: (m[1, t], 0, 0)),
                pl.BlockSpec((1, D, D), lambda t, m: (m[1, t], 0, 0)),
                pl.BlockSpec((1, 1, D), lambda t, m: (m[1, t], 0, 0)),
            ],
            out_specs=pl.BlockSpec((BLK, D), lambda t, m: (m[0, t], 0)),
        ),
        out_shape=jax.ShapeDtypeStruct((S, D), jnp.float32),
        compiler_params=pltpu.CompilerParams(
            dimension_semantics=("arbitrary",)),
    )(meta, xs, W1, b1.reshape(E, 1, D), W2, b2.reshape(E, 1, D))

    results = gather_rows(ys, pos).reshape(1, S, D)
    return results, losses[0, 0], losses[0, 1]

# --- scband reference (transcript-rebuilt; emitter-appended) ---
"""Pipeline reference for scband-mlpmo-e-53231824666983 (READ-ONLY COPY).

The authoritative reference and input builder live on the scoring server;
editing this copy changes nothing except your own understanding.
"""

import jax, jax.numpy as jnp
import numpy as np

E = 16
K = 1
MM = 768
C = 768
B = 1
S = 2048

def setup_inputs(seed: int = 0) -> dict:
    key = jax.random.key(seed)
    ks = jax.random.split(key, 8)
    x_img = jax.random.normal(ks[0], (B, S, MM), dtype=jnp.float32)
    text = jax.random.normal(ks[1], (B, 128, MM), dtype=jnp.float32)
    Wg = jax.random.normal(ks[2], (E, MM), dtype=jnp.float32) * 0.02
    W1 = jax.random.normal(ks[3], (E, C, MM), dtype=jnp.float32) * 0.02
    b1 = jnp.zeros((E, C), dtype=jnp.float32)
    W2 = jax.random.normal(ks[4], (E, C, C), dtype=jnp.float32) * 0.02
    b2 = jnp.zeros((E, C), dtype=jnp.float32)
    return {"x_img": x_img, "text": text, "Wg": Wg, "W1": W1, "b1": b1, "W2": W2, "b2": b2}

def reference(x_img, text, Wg, W1, b1, W2, b2):
    # gate
    gate_logits = jnp.einsum('bsm,em->bse', x_img, Wg)
    z = jax.scipy.special.logsumexp(gate_logits, axis=-1)
    router_z_loss = jnp.mean(jnp.square(z))
    gate_softmax = jax.nn.softmax(gate_logits.astype(jnp.float32), axis=-1).astype(x_img.dtype)
    density_1_proxy = jnp.mean(gate_softmax, axis=1)  # [B, E]
    weights, selected_experts = jax.lax.top_k(gate_softmax, K)  # [B,S,K]
    # one_hot of top-1 selected expert (matches torch F.one_hot(rearrange(...))[0])
    one_hot_gate = jax.nn.one_hot(selected_experts[..., 0], E, dtype=jnp.float32)  # [B,S,E]
    density_1 = jnp.mean(one_hot_gate, axis=1)  # [B, E]
    balance_loss = jnp.mean(density_1_proxy * density_1) * float(E ** 2)
    weights = weights / jnp.sum(weights, axis=-1, keepdims=True)
    results = jnp.zeros((B, S, C), dtype=x_img.dtype)
    for i in range(E):
        h = jax.nn.gelu(jnp.einsum('bsm,cm->bsc', x_img, W1[i]) + b1[i], approximate=False)
        out = jnp.einsum('bsc,dc->bsd', h, W2[i]) + b2[i]
        w_i = jnp.sum(weights * (selected_experts == i).astype(weights.dtype), axis=-1)  # [B,S]
        results = results + w_i[..., None] * out
    return (results, balance_loss, router_z_loss)

if __name__ == "__main__":
    import jax
    _d = setup_inputs()
    print(jax.jit(kernel)(*tuple(_d.values())))

</pallas_src>

<mosaic_0001>
#map = affine_map<(d0, d1) -> (0, 0)>
#map1 = affine_map<(d0, d1) -> (0)>
module attributes {stable_mosaic.version = 14 : i64} {
  func.func @gather_rows(%arg0: i32, %arg1: i32, %arg2: memref<2048x768xf32, #tpu.memory_space<hbm>>, %arg3: memref<2048xi32, #tpu.memory_space<hbm>>, %arg4: memref<2048x768xf32, #tpu.memory_space<hbm>>, %arg5: memref<64xi32, #tpu.memory_space<vmem>>, %arg6: memref<64x768xf32, #tpu.memory_space<vmem>>, %arg7: memref<!tpu.dma_semaphore, #tpu.memory_space<semaphore_mem>>) attributes {dimension_semantics = [#tpu.dimension_semantics<core_parallel>, #tpu.dimension_semantics<subcore_parallel>], iteration_bounds = array<i64: 2, 16>, scalar_prefetch = 0 : i64, scratch_operands = 3 : i64, tpu.core_type = #tpu.core_type<sc_vector_subcore>, window_params = [{transform_indices = #map}, {transform_indices = #map1}, {transform_indices = #map}]} {
    %mul3A = arith.constant 2 : i32
    %mul3A_0 = arith.muli %arg1, %mul3A : i32
    %add3A = arith.addi %mul3A_0, %arg0 : i32
    %mul3A_1 = arith.constant 64 : i32
    %mul3A_2 = arith.muli %add3A, %mul3A_1 : i32
    "tpu.region"() ({
      %run_scoped3A = tpu.sem_alloc : memref<!tpu.dma_semaphore, #tpu.memory_space<semaphore_mem>>
      %dma_start3A_7 = tpu.memref_slice %arg3[%mul3A_2] : memref<2048xi32, #tpu.memory_space<hbm>> -> memref<64xi32, #tpu.memory_space<hbm>>
      %dma_start3A_8 = tpu.memref_slice %arg3[%mul3A_2] : memref<2048xi32, #tpu.memory_space<hbm>> -> memref<64xi32, #tpu.memory_space<hbm>>
      tpu.enqueue_dma source(%dma_start3A_8 : memref<64xi32, #tpu.memory_space<hbm>>) target(%arg5 : memref<64xi32, #tpu.memory_space<vmem>>) target_semaphore(%run_scoped3A : memref<!tpu.dma_semaphore, #tpu.memory_space<semaphore_mem>>)
      %dma_wait3A_9 = tpu.memref_slice %arg3[%mul3A_2] : memref<2048xi32, #tpu.memory_space<hbm>> -> memref<64xi32, #tpu.memory_space<hbm>>
      %dma_wait3A_10 = tpu.memref_slice %arg3[%mul3A_2] : memref<2048xi32, #tpu.memory_space<hbm>> -> memref<64xi32, #tpu.memory_space<hbm>>
      tpu.wait_dma2 semaphore(%run_scoped3A : memref<!tpu.dma_semaphore, #tpu.memory_space<semaphore_mem>>) src(%dma_wait3A_10 : memref<64xi32, #tpu.memory_space<hbm>>) dst(%arg5 : memref<64xi32, #tpu.memory_space<vmem>>)
      tpu.yield
    }) : () -> ()
    %dma_start3A = arith.constant 0 : i32
    %dma_start3A_3 = arith.constant 0 : i32
    %dma_start3A_4 = tpu.memref_slice %arg2[%dma_start3A, %dma_start3A_3] : memref<2048x768xf32, #tpu.memory_space<hbm>> -> memref<2048x768xf32, #tpu.memory_space<hbm>>
    tpu.enqueue_indirect_dma source(%dma_start3A_4 : memref<2048x768xf32, #tpu.memory_space<hbm>>) target(%arg6 : memref<64x768xf32, #tpu.memory_space<vmem>>) offsets(%arg5 : memref<64xi32, #tpu.memory_space<vmem>>) semaphore(%arg7 : memref<!tpu.dma_semaphore, #tpu.memory_space<semaphore_mem>>)
    %dma_wait3A = arith.constant 0 : i32
    %dma_wait3A_5 = arith.constant 0 : i32
    %dma_wait3A_6 = tpu.memref_slice %arg2[%dma_wait3A, %dma_wait3A_5] : memref<2048x768xf32, #tpu.memory_space<hbm>> -> memref<2048x768xf32, #tpu.memory_space<hbm>>
    tpu.wait_indirect_dma semaphore(%arg7 : memref<!tpu.dma_semaphore, #tpu.memory_space<semaphore_mem>>) src(%dma_wait3A_6 : memref<2048x768xf32, #tpu.memory_space<hbm>>) dst(%arg6 : memref<64x768xf32, #tpu.memory_space<vmem>>)
    "tpu.region"() ({
      %run_scoped3A = tpu.sem_alloc : memref<!tpu.dma_semaphore, #tpu.memory_space<semaphore_mem>>
      %dma_start3A_7 = arith.constant 0 : i32
      %dma_start3A_8 = tpu.memref_slice %arg4[%mul3A_2, %dma_start3A_7] : memref<2048x768xf32, #tpu.memory_space<hbm>> -> memref<64x768xf32, #tpu.memory_space<hbm>>
      %dma_start3A_9 = arith.constant 0 : i32
      %dma_start3A_10 = tpu.memref_slice %arg4[%mul3A_2, %dma_start3A_9] : memref<2048x768xf32, #tpu.memory_space<hbm>> -> memref<64x768xf32, #tpu.memory_space<hbm>>
      tpu.enqueue_dma source(%arg6 : memref<64x768xf32, #tpu.memory_space<vmem>>) target(%dma_start3A_10 : memref<64x768xf32, #tpu.memory_space<hbm>>) target_semaphore(%run_scoped3A : memref<!tpu.dma_semaphore, #tpu.memory_space<semaphore_mem>>)
      %dma_wait3A_11 = arith.constant 0 : i32
      %dma_wait3A_12 = tpu.memref_slice %arg4[%mul3A_2, %dma_wait3A_11] : memref<2048x768xf32, #tpu.memory_space<hbm>> -> memref<64x768xf32, #tpu.memory_space<hbm>>
      %dma_wait3A_13 = arith.constant 0 : i32
      %dma_wait3A_14 = tpu.memref_slice %arg4[%mul3A_2, %dma_wait3A_13] : memref<2048x768xf32, #tpu.memory_space<hbm>> -> memref<64x768xf32, #tpu.memory_space<hbm>>
      tpu.wait_dma2 semaphore(%run_scoped3A : memref<!tpu.dma_semaphore, #tpu.memory_space<semaphore_mem>>) src(%arg6 : memref<64x768xf32, #tpu.memory_space<vmem>>) dst(%dma_wait3A_14 : memref<64x768xf32, #tpu.memory_space<hbm>>)
      tpu.yield
    }) : () -> ()
    return
  }
}

#map = affine_map<(d0, d1) -> (0, 0)>
#map1 = affine_map<(d0, d1) -> (0)>
module attributes {stable_mosaic.version = 14 : i64} {
  func.func @scatter_rows(%arg0: i32, %arg1: i32, %arg2: memref<2048x768xf32, #tpu.memory_space<hbm>>, %arg3: memref<2048xi32, #tpu.memory_space<hbm>>, %arg4: memref<2048x768xf32, #tpu.memory_space<hbm>>, %arg5: memref<64xi32, #tpu.memory_space<vmem>>, %arg6: memref<64x768xf32, #tpu.memory_space<vmem>>, %arg7: memref<!tpu.dma_semaphore, #tpu.memory_space<semaphore_mem>>) attributes {dimension_semantics = [#tpu.dimension_semantics<core_parallel>, #tpu.dimension_semantics<subcore_parallel>], iteration_bounds = array<i64: 2, 16>, scalar_prefetch = 0 : i64, scratch_operands = 3 : i64, tpu.core_type = #tpu.core_type<sc_vector_subcore>, window_params = [{transform_indices = #map}, {transform_indices = #map1}, {transform_indices = #map}]} {
    %mul3A = arith.constant 2 : i32
    %mul3A_0 = arith.muli %arg1, %mul3A : i32
    %add3A = arith.addi %mul3A_0, %arg0 : i32
    %mul3A_1 = arith.constant 64 : i32
    %mul3A_2 = arith.muli %add3A, %mul3A_1 : i32
    "tpu.region"() ({
      %run_scoped3A = tpu.sem_alloc : memref<!tpu.dma_semaphore, #tpu.memory_space<semaphore_mem>>
      %dma_start3A_7 = tpu.memref_slice %arg3[%mul3A_2] : memref<2048xi32, #tpu.memory_space<hbm>> -> memref<64xi32, #tpu.memory_space<hbm>>
      %dma_start3A_8 = tpu.memref_slice %arg3[%mul3A_2] : memref<2048xi32, #tpu.memory_space<hbm>> -> memref<64xi32, #tpu.memory_space<hbm>>
      tpu.enqueue_dma source(%dma_start3A_8 : memref<64xi32, #tpu.memory_space<hbm>>) target(%arg5 : memref<64xi32, #tpu.memory_space<vmem>>) target_semaphore(%run_scoped3A : memref<!tpu.dma_semaphore, #tpu.memory_space<semaphore_mem>>)
      %dma_wait3A_9 = tpu.memref_slice %arg3[%mul3A_2] : memref<2048xi32, #tpu.memory_space<hbm>> -> memref<64xi32, #tpu.memory_space<hbm>>
      %dma_wait3A_10 = tpu.memref_slice %arg3[%mul3A_2] : memref<2048xi32, #tpu.memory_space<hbm>> -> memref<64xi32, #tpu.memory_space<hbm>>
      tpu.wait_dma2 semaphore(%run_scoped3A : memref<!tpu.dma_semaphore, #tpu.memory_space<semaphore_mem>>) src(%dma_wait3A_10 : memref<64xi32, #tpu.memory_space<hbm>>) dst(%arg5 : memref<64xi32, #tpu.memory_space<vmem>>)
      tpu.yield
    }) : () -> ()
    "tpu.region"() ({
      %run_scoped3A = tpu.sem_alloc : memref<!tpu.dma_semaphore, #tpu.memory_space<semaphore_mem>>
      %dma_start3A_7 = arith.constant 0 : i32
      %dma_start3A_8 = tpu.memref_slice %arg2[%mul3A_2, %dma_start3A_7] : memref<2048x768xf32, #tpu.memory_space<hbm>> -> memref<64x768xf32, #tpu.memory_space<hbm>>
      %dma_start3A_9 = arith.constant 0 : i32
      %dma_start3A_10 = tpu.memref_slice %arg2[%mul3A_2, %dma_start3A_9] : memref<2048x768xf32, #tpu.memory_space<hbm>> -> memref<64x768xf32, #tpu.memory_space<hbm>>
      tpu.enqueue_dma source(%dma_start3A_10 : memref<64x768xf32, #tpu.memory_space<hbm>>) target(%arg6 : memref<64x768xf32, #tpu.memory_space<vmem>>) target_semaphore(%run_scoped3A : memref<!tpu.dma_semaphore, #tpu.memory_space<semaphore_mem>>)
      %dma_wait3A_11 = arith.constant 0 : i32
      %dma_wait3A_12 = tpu.memref_slice %arg2[%mul3A_2, %dma_wait3A_11] : memref<2048x768xf32, #tpu.memory_space<hbm>> -> memref<64x768xf32, #tpu.memory_space<hbm>>
      %dma_wait3A_13 = arith.constant 0 : i32
      %dma_wait3A_14 = tpu.memref_slice %arg2[%mul3A_2, %dma_wait3A_13] : memref<2048x768xf32, #tpu.memory_space<hbm>> -> memref<64x768xf32, #tpu.memory_space<hbm>>
      tpu.wait_dma2 semaphore(%run_scoped3A : memref<!tpu.dma_semaphore, #tpu.memory_space<semaphore_mem>>) src(%dma_wait3A_14 : memref<64x768xf32, #tpu.memory_space<hbm>>) dst(%arg6 : memref<64x768xf32, #tpu.memory_space<vmem>>)
      tpu.yield
    }) : () -> ()
    %dma_start3A = arith.constant 0 : i32
    %dma_start3A_3 = arith.constant 0 : i32
    %dma_start3A_4 = tpu.memref_slice %arg4[%dma_start3A, %dma_start3A_3] : memref<2048x768xf32, #tpu.memory_space<hbm>> -> memref<2048x768xf32, #tpu.memory_space<hbm>>
    tpu.enqueue_indirect_dma source(%arg6 : memref<64x768xf32, #tpu.memory_space<vmem>>) target(%dma_start3A_4 : memref<2048x768xf32, #tpu.memory_space<hbm>>) offsets(%arg5 : memref<64xi32, #tpu.memory_space<vmem>>) semaphore(%arg7 : memref<!tpu.dma_semaphore, #tpu.memory_space<semaphore_mem>>)
    %dma_wait3A = arith.constant 0 : i32
    %dma_wait3A_5 = arith.constant 0 : i32
    %dma_wait3A_6 = tpu.memref_slice %arg4[%dma_wait3A, %dma_wait3A_5] : memref<2048x768xf32, #tpu.memory_space<hbm>> -> memref<2048x768xf32, #tpu.memory_space<hbm>>
    tpu.wait_indirect_dma semaphore(%arg7 : memref<!tpu.dma_semaphore, #tpu.memory_space<semaphore_mem>>) src(%arg6 : memref<64x768xf32, #tpu.memory_space<vmem>>) dst(%dma_wait3A_6 : memref<2048x768xf32, #tpu.memory_space<hbm>>)
    return
  }
}

module attributes {stable_mosaic.version = 14 : i64} {
  func.func @_gate_meta_body(%arg0: memref<2048x768xf32, #tpu.memory_space<vmem>>, %arg1: memref<16x768xf32, #tpu.memory_space<vmem>>, %arg2: memref<2048x1xi32, #tpu.memory_space<vmem>>, %arg3: memref<8x24xi32, #tpu.memory_space<vmem>>, %arg4: memref<1x2xf32, #tpu.memory_space<vmem>>) attributes {dimension_semantics = [], scalar_prefetch = 0 : i64, scratch_operands = 0 : i64, tpu.core_type = #tpu.core_type<tc>} {
    %get3A = arith.constant 0 : index
    %get3A_0 = arith.constant 0 : index
    %get3A_1 = vector.load %arg0[%get3A, %get3A_0] : memref<2048x768xf32, #tpu.memory_space<vmem>>, vector<2048x768xf32>
    %get3A_2 = arith.constant 0 : index
    %get3A_3 = arith.constant 0 : index
    %get3A_4 = vector.load %arg1[%get3A_2, %get3A_3] : memref<16x768xf32, #tpu.memory_space<vmem>>, vector<16x768xf32>
    %dot_general3A = arith.constant dense<0.000000e+00> : vector<2048x16xf32>
    %dot_general3A_5 = tpu.matmul %get3A_1, %get3A_4, %dot_general3A {dimension_numbers = #tpu.dot_dimension_numbers<[1], [1], [0], [0], [0, 0, 1, 0], [], []>, transpose_lhs_hint = false} : vector<2048x768xf32>, vector<16x768xf32>, vector<2048x16xf32> -> vector<2048x16xf32>
    %reduce_max3A = arith.constant dense<0xFF800000> : vector<2048xf32>
    %reduce_max3A_6 = vector.multi_reduction <maximumf>, %dot_general3A_5, %reduce_max3A [1] : vector<2048x16xf32> to vector<2048xf32>
    %broadcast_in_dim3A = vector.shape_cast %reduce_max3A_6 : vector<2048xf32> to vector<2048x1xf32>
    %sub3A = vector.broadcast %broadcast_in_dim3A : vector<2048x1xf32> to vector<2048x16xf32>
    %sub3A_7 = arith.subf %dot_general3A_5, %sub3A : vector<2048x16xf32>
    %exp3A = math.exp %sub3A_7 : vector<2048x16xf32>
    %reduce_sum3A = arith.constant dense<0.000000e+00> : vector<2048xf32>
    %reduce_sum3A_8 = vector.multi_reduction <add>, %exp3A, %reduce_sum3A [1] : vector<2048x16xf32> to vector<2048xf32>
    %broadcast_in_dim3A_9 = vector.shape_cast %reduce_sum3A_8 : vector<2048xf32> to vector<2048x1xf32>
    %div3A = vector.broadcast %broadcast_in_dim3A_9 : vector<2048x1xf32> to vector<2048x16xf32>
    %div3A_10 = arith.divf %exp3A, %div3A : vector<2048x16xf32>
    %log3A = math.log %broadcast_in_dim3A_9 : vector<2048x1xf32>
    %add3A = arith.addf %broadcast_in_dim3A, %log3A : vector<2048x1xf32>
    %square3A = arith.mulf %add3A, %add3A : vector<2048x1xf32>
    %reduce_sum3A_11 = vector.shape_cast %square3A : vector<2048x1xf32> to vector<1x2048x1xf32>
    %reduce_sum3A_12 = arith.constant dense<0.000000e+00> : vector<1xf32>
    %reduce_sum3A_13 = vector.multi_reduction <add>, %reduce_sum3A_11, %reduce_sum3A_12 [1, 2] : vector<1x2048x1xf32> to vector<1xf32>
    %reduce_sum3A_14 = vector.shape_cast %reduce_sum3A_13 : vector<1xf32> to vector<1x1x1xf32>
    %reduce_sum3A_15 = vector.extract %reduce_sum3A_14[0, 0, 0] : f32 from vector<1x1x1xf32>
    %div3A_16 = arith.constant 2.048000e+03 : f32
    %div3A_17 = arith.divf %reduce_sum3A_15, %div3A_16 : f32
    %reduce_max3A_18 = arith.constant dense<0xFF800000> : vector<2048xf32>
    %reduce_max3A_19 = vector.multi_reduction <maximumf>, %div3A_10, %reduce_max3A_18 [1] : vector<2048x16xf32> to vector<2048xf32>
    %broadcast_in_dim3A_20 = vector.shape_cast %reduce_max3A_19 : vector<2048xf32> to vector<2048x1xf32>
    %iota3A = tpu.iota {dimensions = array<i32: 1>} : vector<2048x16xi32>
    %eq3A = vector.broadcast %broadcast_in_dim3A_20 : vector<2048x1xf32> to vector<2048x16xf32>
    %eq3A_21 = arith.cmpf oeq, %div3A_10, %eq3A : vector<2048x16xf32>
    %jit3A = arith.constant 16 : i32
    %broadcast_in_dim3A_22 = vector.broadcast %jit3A : i32 to vector<2048x16xi32>
    %select_n3A = arith.select %eq3A_21, %iota3A, %broadcast_in_dim3A_22 : vector<2048x16xi1>, vector<2048x16xi32>
    %reduce_min3A = arith.constant dense<2147483647> : vector<2048xi32>
    %reduce_min3A_23 = vector.multi_reduction <minsi>, %select_n3A, %reduce_min3A [1] : vector<2048x16xi32> to vector<2048xi32>
    %broadcast_in_dim3A_24 = vector.shape_cast %reduce_min3A_23 : vector<2048xi32> to vector<2048x1xi32>
    %eq3A_25 = vector.broadcast %broadcast_in_dim3A_24 : vector<2048x1xi32> to vector<2048x16xi32>
    %eq3A_26 = arith.cmpi eq, %iota3A, %eq3A_25 : vector<2048x16xi32>
    %convert_element_type3A = arith.extui %eq3A_26 : vector<2048x16xi1> to vector<2048x16xi32>
    %broadcast_in_dim3A_27 = arith.constant 0 : i32
    %broadcast_in_dim3A_28 = vector.broadcast %broadcast_in_dim3A_27 : i32 to vector<1x16xi32>
    %slice3A = vector.extract_strided_slice %convert_element_type3A {offsets = [0, 0], sizes = [2047, 16], strides = [1, 1]} : vector<2048x16xi32> to vector<2047x16xi32>
    %concatenate3A = tpu.concatenate %broadcast_in_dim3A_28, %slice3A in 0 : vector<1x16xi32>, vector<2047x16xi32> -> vector<2048x16xi32>
    %add3A_29 = arith.addi %convert_element_type3A, %concatenate3A : vector<2048x16xi32>
    %broadcast_in_dim3A_30 = arith.constant 0 : i32
    %broadcast_in_dim3A_31 = vector.broadcast %broadcast_in_dim3A_30 : i32 to vector<2x16xi32>
    %slice3A_32 = vector.extract_strided_slice %add3A_29 {offsets = [0, 0], sizes = [2046, 16], strides = [1, 1]} : vector<2048x16xi32> to vector<2046x16xi32>
    %concatenate3A_33 = tpu.concatenate %broadcast_in_dim3A_31, %slice3A_32 in 0 : vector<2x16xi32>, vector<2046x16xi32> -> vector<2048x16xi32>
    %add3A_34 = arith.addi %add3A_29, %concatenate3A_33 : vector<2048x16xi32>
    %broadcast_in_dim3A_35 = arith.constant 0 : i32
    %broadcast_in_dim3A_36 = vector.broadcast %broadcast_in_dim3A_35 : i32 to vector<4x16xi32>
    %slice3A_37 = vector.extract_strided_slice %add3A_34 {offsets = [0, 0], sizes = [2044, 16], strides = [1, 1]} : vector<2048x16xi32> to vector<2044x16xi32>
    %concatenate3A_38 = tpu.concatenate %broadcast_in_dim3A_36, %slice3A_37 in 0 : vector<4x16xi32>, vector<2044x16xi32> -> vector<2048x16xi32>
    %add3A_39 = arith.addi %add3A_34, %concatenate3A_38 : vector<2048x16xi32>
    %broadcast_in_dim3A_40 = arith.constant 0 : i32
    %broadcast_in_dim3A_41 = vector.broadcast %broadcast_in_dim3A_40 : i32 to vector<8x16xi32>
    %slice3A_42 = vector.extract_strided_slice %add3A_39 {offsets = [0, 0], sizes = [2040, 16], strides = [1, 1]} : vector<2048x16xi32> to vector<2040x16xi32>
    %concatenate3A_43 = tpu.concatenate %broadcast_in_dim3A_41, %slice3A_42 in 0 : vector<8x16xi32>, vector<2040x16xi32> -> vector<2048x16xi32>
    %add3A_44 = arith.addi %add3A_39, %concatenate3A_43 : vector<2048x16xi32>
    %broadcast_in_dim3A_45 = arith.constant 0 : i32
    %broadcast_in_dim3A_46 = vector.broadcast %broadcast_in_dim3A_45 : i32 to vector<16x16xi32>
    %slice3A_47 = vector.extract_strided_slice %add3A_44 {offsets = [0, 0], sizes = [2032, 16], strides = [1, 1]} : vector<2048x16xi32> to vector<2032x16xi32>
    %concatenate3A_48 = tpu.concatenate %broadcast_in_dim3A_46, %slice3A_47 in 0 : vector<16x16xi32>, vector<2032x16xi32> -> vector<2048x16xi32>
    %add3A_49 = arith.addi %add3A_44, %concatenate3A_48 : vector<2048x16xi32>
    %broadcast_in_dim3A_50 = arith.constant 0 : i32
    %broadcast_in_dim3A_51 = vector.broadcast %broadcast_in_dim3A_50 : i32 to vector<32x16xi32>
    %slice3A_52 = vector.extract_strided_slice %add3A_49 {offsets = [0, 0], sizes = [2016, 16], strides = [1, 1]} : vector<2048x16xi32> to vector<2016x16xi32>
    %concatenate3A_53 = tpu.concatenate %broadcast_in_dim3A_51, %slice3A_52 in 0 : vector<32x16xi32>, vector<2016x16xi32> -> vector<2048x16xi32>
    %add3A_54 = arith.addi %add3A_49, %concatenate3A_53 : vector<2048x16xi32>
    %broadcast_in_dim3A_55 = arith.constant 0 : i32
    %broadcast_in_dim3A_56 = vector.broadcast %broadcast_in_dim3A_55 : i32 to vector<64x16xi32>
    %slice3A_57 = vector.extract_strided_slice %add3A_54 {offsets = [0, 0], sizes = [1984, 16], strides = [1, 1]} : vector<2048x16xi32> to vector<1984x16xi32>
    %concatenate3A_58 = tpu.concatenate %broadcast_in_dim3A_56, %slice3A_57 in 0 : vector<64x16xi32>, vector<1984x16xi32> -> vector<2048x16xi32>
    %add3A_59 = arith.addi %add3A_54, %concatenate3A_58 : vector<2048x16xi32>
    %broadcast_in_dim3A_60 = arith.constant 0 : i32
    %broadcast_in_dim3A_61 = vector.broadcast %broadcast_in_dim3A_60 : i32 to vector<128x16xi32>
    %slice3A_62 = vector.extract_strided_slice %add3A_59 {offsets = [0, 0], sizes = [1920, 16], strides = [1, 1]} : vector<2048x16xi32> to vector<1920x16xi32>
    %concatenate3A_63 = tpu.concatenate %broadcast_in_dim3A_61, %slice3A_62 in 0 : vector<128x16xi32>, vector<1920x16xi32> -> vector<2048x16xi32>
    %add3A_64 = arith.addi %add3A_59, %concatenate3A_63 : vector<2048x16xi32>
    %broadcast_in_dim3A_65 = arith.constant 0 : i32
    %broadcast_in_dim3A_66 = vector.broadcast %broadcast_in_dim3A_65 : i32 to vector<256x16xi32>
    %slice3A_67 = vector.extract_strided_slice %add3A_64 {offsets = [0, 0], sizes = [1792, 16], strides = [1, 1]} : vector<2048x16xi32> to vector<1792x16xi32>
    %concatenate3A_68 = tpu.concatenate %broadcast_in_dim3A_66, %slice3A_67 in 0 : vector<256x16xi32>, vector<1792x16xi32> -> vector<2048x16xi32>
    %add3A_69 = arith.addi %add3A_64, %concatenate3A_68 : vector<2048x16xi32>
    %broadcast_in_dim3A_70 = arith.constant 0 : i32
    %broadcast_in_dim3A_71 = vector.broadcast %broadcast_in_dim3A_70 : i32 to vector<512x16xi32>
    %slice3A_72 = vector.extract_strided_slice %add3A_69 {offsets = [0, 0], sizes = [1536, 16], strides = [1, 1]} : vector<2048x16xi32> to vector<1536x16xi32>
    %concatenate3A_73 = tpu.concatenate %broadcast_in_dim3A_71, %slice3A_72 in 0 : vector<512x16xi32>, vector<1536x16xi32> -> vector<2048x16xi32>
    %add3A_74 = arith.addi %add3A_69, %concatenate3A_73 : vector<2048x16xi32>
    %broadcast_in_dim3A_75 = arith.constant 0 : i32
    %broadcast_in_dim3A_76 = vector.broadcast %broadcast_in_dim3A_75 : i32 to vector<1024x16xi32>
    %slice3A_77 = vector.extract_strided_slice %add3A_74 {offsets = [0, 0], sizes = [1024, 16], strides = [1, 1]} : vector<2048x16xi32> to vector<1024x16xi32>
    %concatenate3A_78 = tpu.concatenate %broadcast_in_dim3A_76, %slice3A_77 in 0 : vector<1024x16xi32>, vector<1024x16xi32> -> vector<2048x16xi32>
    %add3A_79 = arith.addi %add3A_74, %concatenate3A_78 : vector<2048x16xi32>
    %slice3A_80 = vector.extract_strided_slice %add3A_79 {offsets = [2047, 0], sizes = [1, 16], strides = [1, 1]} : vector<2048x16xi32> to vector<1x16xi32>
    %eq3A_81 = arith.constant 1 : i32
    %eq3A_82 = vector.broadcast %eq3A_81 : i32 to vector<2048x16xi32>
    %eq3A_83 = arith.cmpi eq, %convert_element_type3A, %eq3A_82 : vector<2048x16xi32>
    %jit3A_84 = arith.constant 0 : i32
    %broadcast_in_dim3A_85 = vector.broadcast %jit3A_84 : i32 to vector<2048x16xi32>
    %select_n3A_86 = arith.select %eq3A_83, %add3A_79, %broadcast_in_dim3A_85 : vector<2048x16xi1>, vector<2048x16xi32>
    %reduce_sum3A_87 = arith.constant dense<0> : vector<2048xi32>
    %reduce_sum3A_88 = vector.multi_reduction <add>, %select_n3A_86, %reduce_sum3A_87 [1] : vector<2048x16xi32> to vector<2048xi32>
    %broadcast_in_dim3A_89 = vector.shape_cast %reduce_sum3A_88 : vector<2048xi32> to vector<2048x1xi32>
    %sub3A_90 = arith.constant 1 : i32
    %sub3A_91 = vector.broadcast %sub3A_90 : i32 to vector<2048x1xi32>
    %sub3A_92 = arith.subi %broadcast_in_dim3A_89, %sub3A_91 : vector<2048x1xi32>
    %reduce_sum3A_93 = arith.constant dense<0.000000e+00> : vector<16xf32>
    %reduce_sum3A_94 = vector.multi_reduction <add>, %div3A_10, %reduce_sum3A_93 [0] : vector<2048x16xf32> to vector<16xf32>
    %broadcast_in_dim3A_95 = vector.shape_cast %reduce_sum3A_94 : vector<16xf32> to vector<1x16xf32>
    %div3A_96 = arith.constant 2.048000e+03 : f32
    %div3A_97 = vector.broadcast %div3A_96 : f32 to vector<1x16xf32>
    %div3A_98 = arith.divf %broadcast_in_dim3A_95, %div3A_97 : vector<1x16xf32>
    %convert_element_type3A_99 = arith.sitofp %slice3A_80 : vector<1x16xi32> to vector<1x16xf32>
    %div3A_100 = arith.constant 2.048000e+03 : f32
    %div3A_101 = vector.broadcast %div3A_100 : f32 to vector<1x16xf32>
    %div3A_102 = arith.divf %convert_element_type3A_99, %div3A_101 : vector<1x16xf32>
    %mul3A = arith.mulf %div3A_98, %div3A_102 : vector<1x16xf32>
    %reduce_sum3A_103 = vector.shape_cast %mul3A : vector<1x16xf32> to vector<1x1x16xf32>
    %reduce_sum3A_104 = arith.constant dense<0.000000e+00> : vector<1xf32>
    %reduce_sum3A_105 = vector.multi_reduction <add>, %reduce_sum3A_103, %reduce_sum3A_104 [1, 2] : vector<1x1x16xf32> to vector<1xf32>
    %reduce_sum3A_106 = vector.shape_cast %reduce_sum3A_105 : vector<1xf32> to vector<1x1x1xf32>
    %reduce_sum3A_107 = vector.extract %reduce_sum3A_106[0, 0, 0] : f32 from vector<1x1x1xf32>
    %mul3A_108 = arith.constant 1.600000e+01 : f32
    %mul3A_109 = arith.mulf %reduce_sum3A_107, %mul3A_108 : f32
    %iota3A_110 = tpu.iota {dimensions = array<i32: 0>} : vector<16x16xi32>
    %iota3A_111 = tpu.iota {dimensions = array<i32: 1>} : vector<16x16xi32>
    %lt3A = arith.cmpi slt, %iota3A_110, %iota3A_111 : vector<16x16xi32>
    %convert_element_type3A_112 = arith.extui %lt3A : vector<16x16xi1> to vector<16x16xi32>
    %convert_element_type3A_113 = arith.sitofp %convert_element_type3A_112 : vector<16x16xi32> to vector<16x16xf32>
    %convert_element_type3A_114 = arith.sitofp %slice3A_80 : vector<1x16xi32> to vector<1x16xf32>
    %dot_general3A_115 = arith.constant dense<0.000000e+00> : vector<1x16xf32>
    %dot_general3A_116 = tpu.matmul %convert_element_type3A_114, %convert_element_type3A_113, %dot_general3A_115 {dimension_numbers = #tpu.dot_dimension_numbers<[1], [0], [0], [1], [0, 0, 1, 1], [], []>, precision = #tpu.contract_precision<fp32>, transpose_lhs_hint = false} : vector<1x16xf32>, vector<16x16xf32>, vector<1x16xf32> -> vector<1x16xf32>
    %add3A_117 = arith.addf %dot_general3A_116, %convert_element_type3A_114 : vector<1x16xf32>
    %eq3A_118 = arith.constant 1 : i32
    %eq3A_119 = vector.broadcast %eq3A_118 : i32 to vector<2048x16xi32>
    %eq3A_120 = arith.cmpi eq, %convert_element_type3A, %eq3A_119 : vector<2048x16xi32>
    %jit3A_121 = arith.constant 0.000000e+00 : f32
    %broadcast_in_dim3A_122 = vector.shape_cast %dot_general3A_116 : vector<1x16xf32> to vector<1x16xf32>
    %broadcast_in_dim3A_123 = vector.broadcast %broadcast_in_dim3A_122 : vector<1x16xf32> to vector<2048x16xf32>
    %broadcast_in_dim3A_124 = vector.broadcast %jit3A_121 : f32 to vector<2048x16xf32>
    %select_n3A_125 = arith.select %eq3A_120, %broadcast_in_dim3A_123, %broadcast_in_dim3A_124 : vector<2048x16xi1>, vector<2048x16xf32>
    %reduce_sum3A_126 = arith.constant dense<0.000000e+00> : vector<2048xf32>
    %reduce_sum3A_127 = vector.multi_reduction <add>, %select_n3A_125, %reduce_sum3A_126 [1] : vector<2048x16xf32> to vector<2048xf32>
    %broadcast_in_dim3A_128 = vector.shape_cast %reduce_sum3A_127 : vector<2048xf32> to vector<2048x1xf32>
    %convert_element_type3A_129 = arith.fptosi %broadcast_in_dim3A_128 : vector<2048x1xf32> to vector<2048x1xi32>
    %add3A_130 = arith.addi %convert_element_type3A_129, %sub3A_92 : vector<2048x1xi32>
    %swap3A = arith.constant 0 : index
    %swap3A_131 = arith.constant 0 : index
    %swap3A_132 = vector.load %arg2[%swap3A, %swap3A_131] : memref<2048x1xi32, #tpu.memory_space<vmem>>, vector<2048x1xi32>
    tpu.vector_store %arg2[%swap3A, %swap3A_131], %add3A_130 {strides = array<i32>} : memref<2048x1xi32, #tpu.memory_space<vmem>>, vector<2048x1xi32>,
    %iota3A_133 = tpu.iota {dimensions = array<i32: 0>} : vector<8x16xi32>
    %convert_element_type3A_134 = arith.sitofp %iota3A_133 : vector<8x16xi32> to vector<8x16xf32>
    %mul3A_135 = arith.constant 2.560000e+02 : f32
    %mul3A_136 = vector.broadcast %mul3A_135 : f32 to vector<8x16xf32>
    %mul3A_137 = arith.mulf %convert_element_type3A_134, %mul3A_136 : vector<8x16xf32>
    %add3A_138 = arith.constant 2.560000e+02 : f32
    %add3A_139 = vector.broadcast %add3A_138 : f32 to vector<8x16xf32>
    %add3A_140 = arith.addf %mul3A_137, %add3A_139 : vector<8x16xf32>
    %lt3A_141 = vector.broadcast %dot_general3A_116 : vector<1x16xf32> to vector<8x16xf32>
    %lt3A_142 = arith.cmpf olt, %lt3A_141, %add3A_140 : vector<8x16xf32>
    %gt3A = vector.broadcast %add3A_117 : vector<1x16xf32> to vector<8x16xf32>
    %gt3A_143 = arith.cmpf ogt, %gt3A, %mul3A_137 : vector<8x16xf32>
    %and3A = arith.andi %lt3A_142, %gt3A_143 : vector<8x16xi1>
    %convert_element_type3A_144 = arith.extui %and3A : vector<8x16xi1> to vector<8x16xi32>
    %convert_element_type3A_145 = arith.sitofp %convert_element_type3A_144 : vector<8x16xi32> to vector<8x16xf32>
    %dot_general3A_146 = arith.constant dense<0.000000e+00> : vector<8x16xf32>
    %dot_general3A_147 = tpu.matmul %convert_element_type3A_145, %convert_element_type3A_113, %dot_general3A_146 {dimension_numbers = #tpu.dot_dimension_numbers<[1], [0], [0], [1], [0, 0, 1, 1], [], []>, precision = #tpu.contract_precision<fp32>, transpose_lhs_hint = false} : vector<8x16xf32>, vector<16x16xf32>, vector<8x16xf32> -> vector<8x16xf32>
    %reduce_sum3A_148 = arith.constant dense<0.000000e+00> : vector<8xf32>
    %reduce_sum3A_149 = vector.multi_reduction <add>, %convert_element_type3A_145, %reduce_sum3A_148 [1] : vector<8x16xf32> to vector<8xf32>
    %broadcast_in_dim3A_150 = vector.shape_cast %reduce_sum3A_149 : vector<8xf32> to vector<8x1xf32>
    %iota3A_151 = tpu.iota {dimensions = array<i32: 0>} : vector<8x8xi32>
    %iota3A_152 = tpu.iota {dimensions = array<i32: 1>} : vector<8x8xi32>
    %lt3A_153 = arith.cmpi slt, %iota3A_151, %iota3A_152 : vector<8x8xi32>
    %convert_element_type3A_154 = arith.extui %lt3A_153 : vector<8x8xi1> to vector<8x8xi32>
    %convert_element_type3A_155 = arith.sitofp %convert_element_type3A_154 : vector<8x8xi32> to vector<8x8xf32>
    %dot_general3A_156 = arith.constant dense<0.000000e+00> : vector<8x1xf32>
    %dot_general3A_157 = tpu.matmul %convert_element_type3A_155, %broadcast_in_dim3A_150, %dot_general3A_156 {dimension_numbers = #tpu.dot_dimension_numbers<[0], [0], [1], [1], [0, 1, 1, 1], [], []>, precision = #tpu.contract_precision<fp32>, transpose_lhs_hint = false} : vector<8x8xf32>, vector<8x1xf32>, vector<8x1xf32> -> vector<8x1xf32>
    %add3A_158 = vector.broadcast %dot_general3A_157 : vector<8x1xf32> to vector<8x16xf32>
    %add3A_159 = arith.addf %dot_general3A_147, %add3A_158 : vector<8x16xf32>
    %reduce_sum3A_160 = vector.shape_cast %convert_element_type3A_145 : vector<8x16xf32> to vector<1x8x16xf32>
    %reduce_sum3A_161 = arith.constant dense<0.000000e+00> : vector<1xf32>
    %reduce_sum3A_162 = vector.multi_reduction <add>, %reduce_sum3A_160, %reduce_sum3A_161 [1, 2] : vector<1x8x16xf32> to vector<1xf32>
    %reduce_sum3A_163 = vector.shape_cast %reduce_sum3A_162 : vector<1xf32> to vector<1x1x1xf32>
    %reduce_sum3A_164 = vector.extract %reduce_sum3A_163[0, 0, 0] : f32 from vector<1x1x1xf32>
    %eq3A_165 = arith.constant 0.000000e+00 : f32
    %eq3A_166 = vector.broadcast %eq3A_165 : f32 to vector<8x16xf32>
    %eq3A_167 = arith.cmpf oeq, %dot_general3A_147, %eq3A_166 : vector<8x16xf32>
    %convert_element_type3A_168 = arith.extui %eq3A_167 : vector<8x16xi1> to vector<8x16xi32>
    %convert_element_type3A_169 = arith.sitofp %convert_element_type3A_168 : vector<8x16xi32> to vector<8x16xf32>
    %iota3A_170 = tpu.iota {dimensions = array<i32: 1>} : vector<16x24xi32>
    %convert_element_type3A_171 = arith.sitofp %iota3A_170 : vector<16x24xi32> to vector<16x24xf32>
    %iota3A_172 = tpu.iota {dimensions = array<i32: 1>} : vector<1x16xi32>
    %convert_element_type3A_173 = arith.sitofp %iota3A_172 : vector<1x16xi32> to vector<1x16xf32>
    %broadcast_in_dim3A_174 = arith.constant 0.000000e+00 : f32
    %broadcast_in_dim3A_175 = vector.broadcast %broadcast_in_dim3A_174 : f32 to vector<1x24xf32>
    %broadcast_in_dim3A_176 = arith.constant 0.000000e+00 : f32
    %broadcast_in_dim3A_177 = vector.broadcast %broadcast_in_dim3A_176 : f32 to vector<1x24xf32>
    %broadcast_in_dim3A_178 = arith.constant 0.000000e+00 : f32
    %broadcast_in_dim3A_179 = vector.broadcast %broadcast_in_dim3A_178 : f32 to vector<1x24xf32>
    %slice3A_180 = vector.extract_strided_slice %add3A_159 {offsets = [0, 0], sizes = [1, 16], strides = [1, 1]} : vector<8x16xf32> to vector<1x16xf32>
    %iota3A_181 = tpu.iota {dimensions = array<i32: 0>} : vector<16x16xi32>
    %iota3A_182 = tpu.iota {dimensions = array<i32: 1>} : vector<16x16xi32>
    %eq3A_183 = arith.cmpi eq, %iota3A_181, %iota3A_182 : vector<16x16xi32>
    %jit3A_184 = arith.constant 0.000000e+00 : f32
    %broadcast_in_dim3A_185 = vector.shape_cast %slice3A_180 : vector<1x16xf32> to vector<1x16xf32>
    %broadcast_in_dim3A_186 = vector.broadcast %broadcast_in_dim3A_185 : vector<1x16xf32> to vector<16x16xf32>
    %broadcast_in_dim3A_187 = vector.broadcast %jit3A_184 : f32 to vector<16x16xf32>
    %select_n3A_188 = arith.select %eq3A_183, %broadcast_in_dim3A_186, %broadcast_in_dim3A_187 : vector<16x16xi1>, vector<16x16xf32>
    %reduce_sum3A_189 = arith.constant dense<0.000000e+00> : vector<16xf32>
    %reduce_sum3A_190 = vector.multi_reduction <add>, %select_n3A_188, %reduce_sum3A_189 [1] : vector<16x16xf32> to vector<16xf32>
    %broadcast_in_dim3A_191 = vector.shape_cast %reduce_sum3A_190 : vector<16xf32> to vector<16x1xf32>
    %slice3A_192 = vector.extract_strided_slice %convert_element_type3A_145 {offsets = [0, 0], sizes = [1, 16], strides = [1, 1]} : vector<8x16xf32> to vector<1x16xf32>
    %iota3A_193 = tpu.iota {dimensions = array<i32: 0>} : vector<16x16xi32>
    %iota3A_194 = tpu.iota {dimensions = array<i32: 1>} : vector<16x16xi32>
    %eq3A_195 = arith.cmpi eq, %iota3A_193, %iota3A_194 : vector<16x16xi32>
    %jit3A_196 = arith.constant 0.000000e+00 : f32
    %broadcast_in_dim3A_197 = vector.shape_cast %slice3A_192 : vector<1x16xf32> to vector<1x16xf32>
    %broadcast_in_dim3A_198 = vector.broadcast %broadcast_in_dim3A_197 : vector<1x16xf32> to vector<16x16xf32>
    %broadcast_in_dim3A_199 = vector.broadcast %jit3A_196 : f32 to vector<16x16xf32>
    %select_n3A_200 = arith.select %eq3A_195, %broadcast_in_dim3A_198, %broadcast_in_dim3A_199 : vector<16x16xi1>, vector<16x16xf32>
    %reduce_sum3A_201 = arith.constant dense<0.000000e+00> : vector<16xf32>
    %reduce_sum3A_202 = vector.multi_reduction <add>, %select_n3A_200, %reduce_sum3A_201 [1] : vector<16x16xf32> to vector<16xf32>
    %broadcast_in_dim3A_203 = vector.shape_cast %reduce_sum3A_202 : vector<16xf32> to vector<16x1xf32>
    %eq3A_204 = vector.broadcast %broadcast_in_dim3A_191 : vector<16x1xf32> to vector<16x24xf32>
    %eq3A_205 = arith.cmpf oeq, %eq3A_204, %convert_element_type3A_171 : vector<16x24xf32>
    %gt3A_206 = arith.constant 0.000000e+00 : f32
    %gt3A_207 = vector.broadcast %gt3A_206 : f32 to vector<16x1xf32>
    %gt3A_208 = arith.cmpf ogt, %broadcast_in_dim3A_203, %gt3A_207 : vector<16x1xf32>
    %and3A_209 = vector.broadcast %gt3A_208 : vector<16x1xi1> to vector<16x24xi1>
    %and3A_210 = arith.andi %eq3A_205, %and3A_209 : vector<16x24xi1>
    %jit3A_211 = arith.constant 1.000000e+00 : f32
    %jit3A_212 = arith.constant 0.000000e+00 : f32
    %broadcast_in_dim3A_213 = vector.broadcast %jit3A_211 : f32 to vector<16x24xf32>
    %broadcast_in_dim3A_214 = vector.broadcast %jit3A_212 : f32 to vector<16x24xf32>
    %select_n3A_215 = arith.select %and3A_210, %broadcast_in_dim3A_213, %broadcast_in_dim3A_214 : vector<16x24xi1>, vector<16x24xf32>
    %reduce_sum3A_216 = arith.constant dense<0.000000e+00> : vector<24xf32>
    %reduce_sum3A_217 = vector.multi_reduction <add>, %select_n3A_215, %reduce_sum3A_216 [0] : vector<16x24xf32> to vector<24xf32>
    %broadcast_in_dim3A_218 = vector.shape_cast %reduce_sum3A_217 : vector<24xf32> to vector<1x24xf32>
    %mul3A_219 = arith.constant 0.000000e+00 : f32
    %mul3A_220 = vector.broadcast %mul3A_219 : f32 to vector<1x24xf32>
    %mul3A_221 = arith.mulf %mul3A_220, %broadcast_in_dim3A_218 : vector<1x24xf32>
    %add3A_222 = arith.addf %broadcast_in_dim3A_175, %mul3A_221 : vector<1x24xf32>
    %dot_general3A_223 = arith.constant dense<0.000000e+00> : vector<1x24xf32>
    %dot_general3A_224 = tpu.matmul %convert_element_type3A_173, %select_n3A_215, %dot_general3A_223 {dimension_numbers = #tpu.dot_dimension_numbers<[1], [0], [0], [1], [0, 0, 1, 1], [], []>, precision = #tpu.contract_precision<fp32>, transpose_lhs_hint = false} : vector<1x16xf32>, vector<16x24xf32>, vector<1x24xf32> -> vector<1x24xf32>
    %add3A_225 = arith.addf %broadcast_in_dim3A_177, %dot_general3A_224 : vector<1x24xf32>
    %slice3A_226 = vector.extract_strided_slice %convert_element_type3A_169 {offsets = [0, 0], sizes = [1, 16], strides = [1, 1]} : vector<8x16xf32> to vector<1x16xf32>
    %dot_general3A_227 = arith.constant dense<0.000000e+00> : vector<1x24xf32>
    %dot_general3A_228 = tpu.matmul %slice3A_226, %select_n3A_215, %dot_general3A_227 {dimension_numbers = #tpu.dot_dimension_numbers<[1], [0], [0], [1], [0, 0, 1, 1], [], []>, precision = #tpu.contract_precision<fp32>, transpose_lhs_hint = false} : vector<1x16xf32>, vector<16x24xf32>, vector<1x24xf32> -> vector<1x24xf32>
    %add3A_229 = arith.addf %broadcast_in_dim3A_179, %dot_general3A_228 : vector<1x24xf32>
    %slice3A_230 = vector.extract_strided_slice %add3A_159 {offsets = [1, 0], sizes = [1, 16], strides = [1, 1]} : vector<8x16xf32> to vector<1x16xf32>
    %iota3A_231 = tpu.iota {dimensions = array<i32: 0>} : vector<16x16xi32>
    %iota3A_232 = tpu.iota {dimensions = array<i32: 1>} : vector<16x16xi32>
    %eq3A_233 = arith.cmpi eq, %iota3A_231, %iota3A_232 : vector<16x16xi32>
    %jit3A_234 = arith.constant 0.000000e+00 : f32
    %broadcast_in_dim3A_235 = vector.shape_cast %slice3A_230 : vector<1x16xf32> to vector<1x16xf32>
    %broadcast_in_dim3A_236 = vector.broadcast %broadcast_in_dim3A_235 : vector<1x16xf32> to vector<16x16xf32>
    %broadcast_in_dim3A_237 = vector.broadcast %jit3A_234 : f32 to vector<16x16xf32>
    %select_n3A_238 = arith.select %eq3A_233, %broadcast_in_dim3A_236, %broadcast_in_dim3A_237 : vector<16x16xi1>, vector<16x16xf32>
    %reduce_sum3A_239 = arith.constant dense<0.000000e+00> : vector<16xf32>
    %reduce_sum3A_240 = vector.multi_reduction <add>, %select_n3A_238, %reduce_sum3A_239 [1] : vector<16x16xf32> to vector<16xf32>
    %broadcast_in_dim3A_241 = vector.shape_cast %reduce_sum3A_240 : vector<16xf32> to vector<16x1xf32>
    %slice3A_242 = vector.extract_strided_slice %convert_element_type3A_145 {offsets = [1, 0], sizes = [1, 16], strides = [1, 1]} : vector<8x16xf32> to vector<1x16xf32>
    %iota3A_243 = tpu.iota {dimensions = array<i32: 0>} : vector<16x16xi32>
    %iota3A_244 = tpu.iota {dimensions = array<i32: 1>} : vector<16x16xi32>
    %eq3A_245 = arith.cmpi eq, %iota3A_243, %iota3A_244 : vector<16x16xi32>
    %jit3A_246 = arith.constant 0.000000e+00 : f32
    %broadcast_in_dim3A_247 = vector.shape_cast %slice3A_242 : vector<1x16xf32> to vector<1x16xf32>
    %broadcast_in_dim3A_248 = vector.broadcast %broadcast_in_dim3A_247 : vector<1x16xf32> to vector<16x16xf32>
    %broadcast_in_dim3A_249 = vector.broadcast %jit3A_246 : f32 to vector<16x16xf32>
    %select_n3A_250 = arith.select %eq3A_245, %broadcast_in_dim3A_248, %broadcast_in_dim3A_249 : vector<16x16xi1>, vector<16x16xf32>
    %reduce_sum3A_251 = arith.constant dense<0.000000e+00> : vector<16xf32>
    %reduce_sum3A_252 = vector.multi_reduction <add>, %select_n3A_250, %reduce_sum3A_251 [1] : vector<16x16xf32> to vector<16xf32>
    %broadcast_in_dim3A_253 = vector.shape_cast %reduce_sum3A_252 : vector<16xf32> to vector<16x1xf32>
    %eq3A_254 = vector.broadcast %broadcast_in_dim3A_241 : vector<16x1xf32> to vector<16x24xf32>
    %eq3A_255 = arith.cmpf oeq, %eq3A_254, %convert_element_type3A_171 : vector<16x24xf32>
    %gt3A_256 = arith.constant 0.000000e+00 : f32
    %gt3A_257 = vector.broadcast %gt3A_256 : f32 to vector<16x1xf32>
    %gt3A_258 = arith.cmpf ogt, %broadcast_in_dim3A_253, %gt3A_257 : vector<16x1xf32>
    %and3A_259 = vector.broadcast %gt3A_258 : vector<16x1xi1> to vector<16x24xi1>
    %and3A_260 = arith.andi %eq3A_255, %and3A_259 : vector<16x24xi1>
    %jit3A_261 = arith.constant 1.000000e+00 : f32
    %jit3A_262 = arith.constant 0.000000e+00 : f32
    %broadcast_in_dim3A_263 = vector.broadcast %jit3A_261 : f32 to vector<16x24xf32>
    %broadcast_in_dim3A_264 = vector.broadcast %jit3A_262 : f32 to vector<16x24xf32>
    %select_n3A_265 = arith.select %and3A_260, %broadcast_in_dim3A_263, %broadcast_in_dim3A_264 : vector<16x24xi1>, vector<16x24xf32>
    %reduce_sum3A_266 = arith.constant dense<0.000000e+00> : vector<24xf32>
    %reduce_sum3A_267 = vector.multi_reduction <add>, %select_n3A_265, %reduce_sum3A_266 [0] : vector<16x24xf32> to vector<24xf32>
    %broadcast_in_dim3A_268 = vector.shape_cast %reduce_sum3A_267 : vector<24xf32> to vector<1x24xf32>
    %mul3A_269 = arith.constant 1.000000e+00 : f32
    %mul3A_270 = vector.broadcast %mul3A_269 : f32 to vector<1x24xf32>
    %mul3A_271 = arith.mulf %mul3A_270, %broadcast_in_dim3A_268 : vector<1x24xf32>
    %add3A_272 = arith.addf %add3A_222, %mul3A_271 : vector<1x24xf32>
    %dot_general3A_273 = arith.constant dense<0.000000e+00> : vector<1x24xf32>
    %dot_general3A_274 = tpu.matmul %convert_element_type3A_173, %select_n3A_265, %dot_general3A_273 {dimension_numbers = #tpu.dot_dimension_numbers<[1], [0], [0], [1], [0, 0, 1, 1], [], []>, precision = #tpu.contract_precision<fp32>, transpose_lhs_hint = false} : vector<1x16xf32>, vector<16x24xf32>, vector<1x24xf32> -> vector<1x24xf32>
    %add3A_275 = arith.addf %add3A_225, %dot_general3A_274 : vector<1x24xf32>
    %slice3A_276 = vector.extract_strided_slice %convert_element_type3A_169 {offsets = [1, 0], sizes = [1, 16], strides = [1, 1]} : vector<8x16xf32> to vector<1x16xf32>
    %dot_general3A_277 = arith.constant dense<0.000000e+00> : vector<1x24xf32>
    %dot_general3A_278 = tpu.matmul %slice3A_276, %select_n3A_265, %dot_general3A_277 {dimension_numbers = #tpu.dot_dimension_numbers<[1], [0], [0], [1], [0, 0, 1, 1], [], []>, precision = #tpu.contract_precision<fp32>, transpose_lhs_hint = false} : vector<1x16xf32>, vector<16x24xf32>, vector<1x24xf32> -> vector<1x24xf32>
    %add3A_279 = arith.addf %add3A_229, %dot_general3A_278 : vector<1x24xf32>
    %slice3A_280 = vector.extract_strided_slice %add3A_159 {offsets = [2, 0], sizes = [1, 16], strides = [1, 1]} : vector<8x16xf32> to vector<1x16xf32>
    %iota3A_281 = tpu.iota {dimensions = array<i32: 0>} : vector<16x16xi32>
    %iota3A_282 = tpu.iota {dimensions = array<i32: 1>} : vector<16x16xi32>
    %eq3A_283 = arith.cmpi eq, %iota3A_281, %iota3A_282 : vector<16x16xi32>
    %jit3A_284 = arith.constant 0.000000e+00 : f32
    %broadcast_in_dim3A_285 = vector.shape_cast %slice3A_280 : vector<1x16xf32> to vector<1x16xf32>
    %broadcast_in_dim3A_286 = vector.broadcast %broadcast_in_dim3A_285 : vector<1x16xf32> to vector<16x16xf32>
    %broadcast_in_dim3A_287 = vector.broadcast %jit3A_284 : f32 to vector<16x16xf32>
    %select_n3A_288 = arith.select %eq3A_283, %broadcast_in_dim3A_286, %broadcast_in_dim3A_287 : vector<16x16xi1>, vector<16x16xf32>
    %reduce_sum3A_289 = arith.constant dense<0.000000e+00> : vector<16xf32>
    %reduce_sum3A_290 = vector.multi_reduction <add>, %select_n3A_288, %reduce_sum3A_289 [1] : vector<16x16xf32> to vector<16xf32>
    %broadcast_in_dim3A_291 = vector.shape_cast %reduce_sum3A_290 : vector<16xf32> to vector<16x1xf32>
    %slice3A_292 = vector.extract_strided_slice %convert_element_type3A_145 {offsets = [2, 0], sizes = [1, 16], strides = [1, 1]} : vector<8x16xf32> to vector<1x16xf32>
    %iota3A_293 = tpu.iota {dimensions = array<i32: 0>} : vector<16x16xi32>
    %iota3A_294 = tpu.iota {dimensions = array<i32: 1>} : vector<16x16xi32>
    %eq3A_295 = arith.cmpi eq, %iota3A_293, %iota3A_294 : vector<16x16xi32>
    %jit3A_296 = arith.constant 0.000000e+00 : f32
    %broadcast_in_dim3A_297 = vector.shape_cast %slice3A_292 : vector<1x16xf32> to vector<1x16xf32>
    %broadcast_in_dim3A_298 = vector.broadcast %broadcast_in_dim3A_297 : vector<1x16xf32> to vector<16x16xf32>
    %broadcast_in_dim3A_299 = vector.broadcast %jit3A_296 : f32 to vector<16x16xf32>
    %select_n3A_300 = arith.select %eq3A_295, %broadcast_in_dim3A_298, %broadcast_in_dim3A_299 : vector<16x16xi1>, vector<16x16xf32>
    %reduce_sum3A_301 = arith.constant dense<0.000000e+00> : vector<16xf32>
    %reduce_sum3A_302 = vector.multi_reduction <add>, %select_n3A_300, %reduce_sum3A_301 [1] : vector<16x16xf32> to vector<16xf32>
    %broadcast_in_dim3A_303 = vector.shape_cast %reduce_sum3A_302 : vector<16xf32> to vector<16x1xf32>
    %eq3A_304 = vector.broadcast %broadcast_in_dim3A_291 : vector<16x1xf32> to vector<16x24xf32>
    %eq3A_305 = arith.cmpf oeq, %eq3A_304, %convert_element_type3A_171 : vector<16x24xf32>
    %gt3A_306 = arith.constant 0.000000e+00 : f32
    %gt3A_307 = vector.broadcast %gt3A_306 : f32 to vector<16x1xf32>
    %gt3A_308 = arith.cmpf ogt, %broadcast_in_dim3A_303, %gt3A_307 : vector<16x1xf32>
    %and3A_309 = vector.broadcast %gt3A_308 : vector<16x1xi1> to vector<16x24xi1>
    %and3A_310 = arith.andi %eq3A_305, %and3A_309 : vector<16x24xi1>
    %jit3A_311 = arith.constant 1.000000e+00 : f32
    %jit3A_312 = arith.constant 0.000000e+00 : f32
    %broadcast_in_dim3A_313 = vector.broadcast %jit3A_311 : f32 to vector<16x24xf32>
    %broadcast_in_dim3A_314 = vector.broadcast %jit3A_312 : f32 to vector<16x24xf32>
    %select_n3A_315 = arith.select %and3A_310, %broadcast_in_dim3A_313, %broadcast_in_dim3A_314 : vector<16x24xi1>, vector<16x24xf32>
    %reduce_sum3A_316 = arith.constant dense<0.000000e+00> : vector<24xf32>
    %reduce_sum3A_317 = vector.multi_reduction <add>, %select_n3A_315, %reduce_sum3A_316 [0] : vector<16x24xf32> to vector<24xf32>
    %broadcast_in_dim3A_318 = vector.shape_cast %reduce_sum3A_317 : vector<24xf32> to vector<1x24xf32>
    %mul3A_319 = arith.constant 2.000000e+00 : f32
    %mul3A_320 = vector.broadcast %mul3A_319 : f32 to vector<1x24xf32>
    %mul3A_321 = arith.mulf %mul3A_320, %broadcast_in_dim3A_318 : vector<1x24xf32>
    %add3A_322 = arith.addf %add3A_272, %mul3A_321 : vector<1x24xf32>
    %dot_general3A_323 = arith.constant dense<0.000000e+00> : vector<1x24xf32>
    %dot_general3A_324 = tpu.matmul %convert_element_type3A_173, %select_n3A_315, %dot_general3A_323 {dimension_numbers = #tpu.dot_dimension_numbers<[1], [0], [0], [1], [0, 0, 1, 1], [], []>, precision = #tpu.contract_precision<fp32>, transpose_lhs_hint = false} : vector<1x16xf32>, vector<16x24xf32>, vector<1x24xf32> -> vector<1x24xf32>
    %add3A_325 = arith.addf %add3A_275, %dot_general3A_324 : vector<1x24xf32>
    %slice3A_326 = vector.extract_strided_slice %convert_element_type3A_169 {offsets = [2, 0], sizes = [1, 16], strides = [1, 1]} : vector<8x16xf32> to vector<1x16xf32>
    %dot_general3A_327 = arith.constant dense<0.000000e+00> : vector<1x24xf32>
    %dot_general3A_328 = tpu.matmul %slice3A_326, %select_n3A_315, %dot_general3A_327 {dimension_numbers = #tpu.dot_dimension_numbers<[1], [0], [0], [1], [0, 0, 1, 1], [], []>, precision = #tpu.contract_precision<fp32>, transpose_lhs_hint = false} : vector<1x16xf32>, vector<16x24xf32>, vector<1x24xf32> -> vector<1x24xf32>
    %add3A_329 = arith.addf %add3A_279, %dot_general3A_328 : vector<1x24xf32>
    %slice3A_330 = vector.extract_strided_slice %add3A_159 {offsets = [3, 0], sizes = [1, 16], strides = [1, 1]} : vector<8x16xf32> to vector<1x16xf32>
    %iota3A_331 = tpu.iota {dimensions = array<i32: 0>} : vector<16x16xi32>
    %iota3A_332 = tpu.iota {dimensions = array<i32: 1>} : vector<16x16xi32>
    %eq3A_333 = arith.cmpi eq, %iota3A_331, %iota3A_332 : vector<16x16xi32>
    %jit3A_334 = arith.constant 0.000000e+00 : f32
    %broadcast_in_dim3A_335 = vector.shape_cast %slice3A_330 : vector<1x16xf32> to vector<1x16xf32>
    %broadcast_in_dim3A_336 = vector.broadcast %broadcast_in_dim3A_335 : vector<1x16xf32> to vector<16x16xf32>
    %broadcast_in_dim3A_337 = vector.broadcast %jit3A_334 : f32 to vector<16x16xf32>
    %select_n3A_338 = arith.select %eq3A_333, %broadcast_in_dim3A_336, %broadcast_in_dim3A_337 : vector<16x16xi1>, vector<16x16xf32>
    %reduce_sum3A_339 = arith.constant dense<0.000000e+00> : vector<16xf32>
    %reduce_sum3A_340 = vector.multi_reduction <add>, %select_n3A_338, %reduce_sum3A_339 [1] : vector<16x16xf32> to vector<16xf32>
    %broadcast_in_dim3A_341 = vector.shape_cast %reduce_sum3A_340 : vector<16xf32> to vector<16x1xf32>
    %slice3A_342 = vector.extract_strided_slice %convert_element_type3A_145 {offsets = [3, 0], sizes = [1, 16], strides = [1, 1]} : vector<8x16xf32> to vector<1x16xf32>
    %iota3A_343 = tpu.iota {dimensions = array<i32: 0>} : vector<16x16xi32>
    %iota3A_344 = tpu.iota {dimensions = array<i32: 1>} : vector<16x16xi32>
    %eq3A_345 = arith.cmpi eq, %iota3A_343, %iota3A_344 : vector<16x16xi32>
    %jit3A_346 = arith.constant 0.000000e+00 : f32
    %broadcast_in_dim3A_347 = vector.shape_cast %slice3A_342 : vector<1x16xf32> to vector<1x16xf32>
    %broadcast_in_dim3A_348 = vector.broadcast %broadcast_in_dim3A_347 : vector<1x16xf32> to vector<16x16xf32>
    %broadcast_in_dim3A_349 = vector.broadcast %jit3A_346 : f32 to vector<16x16xf32>
    %select_n3A_350 = arith.select %eq3A_345, %broadcast_in_dim3A_348, %broadcast_in_dim3A_349 : vector<16x16xi1>, vector<16x16xf32>
    %reduce_sum3A_351 = arith.constant dense<0.000000e+00> : vector<16xf32>
    %reduce_sum3A_352 = vector.multi_reduction <add>, %select_n3A_350, %reduce_sum3A_351 [1] : vector<16x16xf32> to vector<16xf32>
    %broadcast_in_dim3A_353 = vector.shape_cast %reduce_sum3A_352 : vector<16xf32> to vector<16x1xf32>
    %eq3A_354 = vector.broadcast %broadcast_in_dim3A_341 : vector<16x1xf32> to vector<16x24xf32>
    %eq3A_355 = arith.cmpf oeq, %eq3A_354, %convert_element_type3A_171 : vector<16x24xf32>
    %gt3A_356 = arith.constant 0.000000e+00 : f32
    %gt3A_357 = vector.broadcast %gt3A_356 : f32 to vector<16x1xf32>
    %gt3A_358 = arith.cmpf ogt, %broadcast_in_dim3A_353, %gt3A_357 : vector<16x1xf32>
    %and3A_359 = vector.broadcast %gt3A_358 : vector<16x1xi1> to vector<16x24xi1>
    %and3A_360 = arith.andi %eq3A_355, %and3A_359 : vector<16x24xi1>
    %jit3A_361 = arith.constant 1.000000e+00 : f32
    %jit3A_362 = arith.constant 0.000000e+00 : f32
    %broadcast_in_dim3A_363 = vector.broadcast %jit3A_361 : f32 to vector<16x24xf32>
    %broadcast_in_dim3A_364 = vector.broadcast %jit3A_362 : f32 to vector<16x24xf32>
    %select_n3A_365 = arith.select %and3A_360, %broadcast_in_dim3A_363, %broadcast_in_dim3A_364 : vector<16x24xi1>, vector<16x24xf32>
    %reduce_sum3A_366 = arith.constant dense<0.000000e+00> : vector<24xf32>
    %reduce_sum3A_367 = vector.multi_reduction <add>, %select_n3A_365, %reduce_sum3A_366 [0] : vector<16x24xf32> to vector<24xf32>
    %broadcast_in_dim3A_368 = vector.shape_cast %reduce_sum3A_367 : vector<24xf32> to vector<1x24xf32>
    %mul3A_369 = arith.constant 3.000000e+00 : f32
    %mul3A_370 = vector.broadcast %mul3A_369 : f32 to vector<1x24xf32>
    %mul3A_371 = arith.mulf %mul3A_370, %broadcast_in_dim3A_368 : vector<1x24xf32>
    %add3A_372 = arith.addf %add3A_322, %mul3A_371 : vector<1x24xf32>
    %dot_general3A_373 = arith.constant dense<0.000000e+00> : vector<1x24xf32>
    %dot_general3A_374 = tpu.matmul %convert_element_type3A_173, %select_n3A_365, %dot_general3A_373 {dimension_numbers = #tpu.dot_dimension_numbers<[1], [0], [0], [1], [0, 0, 1, 1], [], []>, precision = #tpu.contract_precision<fp32>, transpose_lhs_hint = false} : vector<1x16xf32>, vector<16x24xf32>, vector<1x24xf32> -> vector<1x24xf32>
    %add3A_375 = arith.addf %add3A_325, %dot_general3A_374 : vector<1x24xf32>
    %slice3A_376 = vector.extract_strided_slice %convert_element_type3A_169 {offsets = [3, 0], sizes = [1, 16], strides = [1, 1]} : vector<8x16xf32> to vector<1x16xf32>
    %dot_general3A_377 = arith.constant dense<0.000000e+00> : vector<1x24xf32>
    %dot_general3A_378 = tpu.matmul %slice3A_376, %select_n3A_365, %dot_general3A_377 {dimension_numbers = #tpu.dot_dimension_numbers<[1], [0], [0], [1], [0, 0, 1, 1], [], []>, precision = #tpu.contract_precision<fp32>, transpose_lhs_hint = false} : vector<1x16xf32>, vector<16x24xf32>, vector<1x24xf32> -> vector<1x24xf32>
    %add3A_379 = arith.addf %add3A_329, %dot_general3A_378 : vector<1x24xf32>
    %slice3A_380 = vector.extract_strided_slice %add3A_159 {offsets = [4, 0], sizes = [1, 16], strides = [1, 1]} : vector<8x16xf32> to vector<1x16xf32>
    %iota3A_381 = tpu.iota {dimensions = array<i32: 0>} : vector<16x16xi32>
    %iota3A_382 = tpu.iota {dimensions = array<i32: 1>} : vector<16x16xi32>
    %eq3A_383 = arith.cmpi eq, %iota3A_381, %iota3A_382 : vector<16x16xi32>
    %jit3A_384 = arith.constant 0.000000e+00 : f32
    %broadcast_in_dim3A_385 = vector.shape_cast %slice3A_380 : vector<1x16xf32> to vector<1x16xf32>
    %broadcast_in_dim3A_386 = vector.broadcast %broadcast_in_dim3A_385 : vector<1x16xf32> to vector<16x16xf32>
    %broadcast_in_dim3A_387 = vector.broadcast %jit3A_384 : f32 to vector<16x16xf32>
    %select_n3A_388 = arith.select %eq3A_383, %broadcast_in_dim3A_386, %broadcast_in_dim3A_387 : vector<16x16xi1>, vector<16x16xf32>
    %reduce_sum3A_389 = arith.constant dense<0.000000e+00> : vector<16xf32>
    %reduce_sum3A_390 = vector.multi_reduction <add>, %select_n3A_388, %reduce_sum3A_389 [1] : vector<16x16xf32> to vector<16xf32>
    %broadcast_in_dim3A_391 = vector.shape_cast %reduce_sum3A_390 : vector<16xf32> to vector<16x1xf32>
    %slice3A_392 = vector.extract_strided_slice %convert_element_type3A_145 {offsets = [4, 0], sizes = [1, 16], strides = [1, 1]} : vector<8x16xf32> to vector<1x16xf32>
    %iota3A_393 = tpu.iota {dimensions = array<i32: 0>} : vector<16x16xi32>
    %iota3A_394 = tpu.iota {dimensions = array<i32: 1>} : vector<16x16xi32>
    %eq3A_395 = arith.cmpi eq, %iota3A_393, %iota3A_394 : vector<16x16xi32>
    %jit3A_396 = arith.constant 0.000000e+00 : f32
    %broadcast_in_dim3A_397 = vector.shape_cast %slice3A_392 : vector<1x16xf32> to vector<1x16xf32>
    %broadcast_in_dim3A_398 = vector.broadcast %broadcast_in_dim3A_397 : vector<1x16xf32> to vector<16x16xf32>
    %broadcast_in_dim3A_399 = vector.broadcast %jit3A_396 : f32 to vector<16x16xf32>
    %select_n3A_400 = arith.select %eq3A_395, %broadcast_in_dim3A_398, %broadcast_in_dim3A_399 : vector<16x16xi1>, vector<16x16xf32>
    %reduce_sum3A_401 = arith.constant dense<0.000000e+00> : vector<16xf32>
    %reduce_sum3A_402 = vector.multi_reduction <add>, %select_n3A_400, %reduce_sum3A_401 [1] : vector<16x16xf32> to vector<16xf32>
    %broadcast_in_dim3A_403 = vector.shape_cast %reduce_sum3A_402 : vector<16xf32> to vector<16x1xf32>
    %eq3A_404 = vector.broadcast %broadcast_in_dim3A_391 : vector<16x1xf32> to vector<16x24xf32>
    %eq3A_405 = arith.cmpf oeq, %eq3A_404, %convert_element_type3A_171 : vector<16x24xf32>
    %gt3A_406 = arith.constant 0.000000e+00 : f32
    %gt3A_407 = vector.broadcast %gt3A_406 : f32 to vector<16x1xf32>
    %gt3A_408 = arith.cmpf ogt, %broadcast_in_dim3A_403, %gt3A_407 : vector<16x1xf32>
    %and3A_409 = vector.broadcast %gt3A_408 : vector<16x1xi1> to vector<16x24xi1>
    %and3A_410 = arith.andi %eq3A_405, %and3A_409 : vector<16x24xi1>
    %jit3A_411 = arith.constant 1.000000e+00 : f32
    %jit3A_412 = arith.constant 0.000000e+00 : f32
    %broadcast_in_dim3A_413 = vector.broadcast %jit3A_411 : f32 to vector<16x24xf32>
    %broadcast_in_dim3A_414 = vector.broadcast %jit3A_412 : f32 to vector<16x24xf32>
    %select_n3A_415 = arith.select %and3A_410, %broadcast_in_dim3A_413, %broadcast_in_dim3A_414 : vector<16x24xi1>, vector<16x24xf32>
    %reduce_sum3A_416 = arith.constant dense<0.000000e+00> : vector<24xf32>
    %reduce_sum3A_417 = vector.multi_reduction <add>, %select_n3A_415, %reduce_sum3A_416 [0] : vector<16x24xf32> to vector<24xf32>
    %broadcast_in_dim3A_418 = vector.shape_cast %reduce_sum3A_417 : vector<24xf32> to vector<1x24xf32>
    %mul3A_419 = arith.constant 4.000000e+00 : f32
    %mul3A_420 = vector.broadcast %mul3A_419 : f32 to vector<1x24xf32>
    %mul3A_421 = arith.mulf %mul3A_420, %broadcast_in_dim3A_418 : vector<1x24xf32>
    %add3A_422 = arith.addf %add3A_372, %mul3A_421 : vector<1x24xf32>
    %dot_general3A_423 = arith.constant dense<0.000000e+00> : vector<1x24xf32>
    %dot_general3A_424 = tpu.matmul %convert_element_type3A_173, %select_n3A_415, %dot_general3A_423 {dimension_numbers = #tpu.dot_dimension_numbers<[1], [0], [0], [1], [0, 0, 1, 1], [], []>, precision = #tpu.contract_precision<fp32>, transpose_lhs_hint = false} : vector<1x16xf32>, vector<16x24xf32>, vector<1x24xf32> -> vector<1x24xf32>
    %add3A_425 = arith.addf %add3A_375, %dot_general3A_424 : vector<1x24xf32>
    %slice3A_426 = vector.extract_strided_slice %convert_element_type3A_169 {offsets = [4, 0], sizes = [1, 16], strides = [1, 1]} : vector<8x16xf32> to vector<1x16xf32>
    %dot_general3A_427 = arith.constant dense<0.000000e+00> : vector<1x24xf32>
    %dot_general3A_428 = tpu.matmul %slice3A_426, %select_n3A_415, %dot_general3A_427 {dimension_numbers = #tpu.dot_dimension_numbers<[1], [0], [0], [1], [0, 0, 1, 1], [], []>, precision = #tpu.contract_precision<fp32>, transpose_lhs_hint = false} : vector<1x16xf32>, vector<16x24xf32>, vector<1x24xf32> -> vector<1x24xf32>
    %add3A_429 = arith.addf %add3A_379, %dot_general3A_428 : vector<1x24xf32>
    %slice3A_430 = vector.extract_strided_slice %add3A_159 {offsets = [5, 0], sizes = [1, 16], strides = [1, 1]} : vector<8x16xf32> to vector<1x16xf32>
    %iota3A_431 = tpu.iota {dimensions = array<i32: 0>} : vector<16x16xi32>
    %iota3A_432 = tpu.iota {dimensions = array<i32: 1>} : vector<16x16xi32>
    %eq3A_433 = arith.cmpi eq, %iota3A_431, %iota3A_432 : vector<16x16xi32>
    %jit3A_434 = arith.constant 0.000000e+00 : f32
    %broadcast_in_dim3A_435 = vector.shape_cast %slice3A_430 : vector<1x16xf32> to vector<1x16xf32>
    %broadcast_in_dim3A_436 = vector.broadcast %broadcast_in_dim3A_435 : vector<1x16xf32> to vector<16x16xf32>
    %broadcast_in_dim3A_437 = vector.broadcast %jit3A_434 : f32 to vector<16x16xf32>
    %select_n3A_438 = arith.select %eq3A_433, %broadcast_in_dim3A_436, %broadcast_in_dim3A_437 : vector<16x16xi1>, vector<16x16xf32>
    %reduce_sum3A_439 = arith.constant dense<0.000000e+00> : vector<16xf32>
    %reduce_sum3A_440 = vector.multi_reduction <add>, %select_n3A_438, %reduce_sum3A_439 [1] : vector<16x16xf32> to vector<16xf32>
    %broadcast_in_dim3A_441 = vector.shape_cast %reduce_sum3A_440 : vector<16xf32> to vector<16x1xf32>
    %slice3A_442 = vector.extract_strided_slice %convert_element_type3A_145 {offsets = [5, 0], sizes = [1, 16], strides = [1, 1]} : vector<8x16xf32> to vector<1x16xf32>
    %iota3A_443 = tpu.iota {dimensions = array<i32: 0>} : vector<16x16xi32>
    %iota3A_444 = tpu.iota {dimensions = array<i32: 1>} : vector<16x16xi32>
    %eq3A_445 = arith.cmpi eq, %iota3A_443, %iota3A_444 : vector<16x16xi32>
    %jit3A_446 = arith.constant 0.000000e+00 : f32
    %broadcast_in_dim3A_447 = vector.shape_cast %slice3A_442 : vector<1x16xf32> to vector<1x16xf32>
    %broadcast_in_dim3A_448 = vector.broadcast %broadcast_in_dim3A_447 : vector<1x16xf32> to vector<16x16xf32>
    %broadcast_in_dim3A_449 = vector.broadcast %jit3A_446 : f32 to vector<16x16xf32>
    %select_n3A_450 = arith.select %eq3A_445, %broadcast_in_dim3A_448, %broadcast_in_dim3A_449 : vector<16x16xi1>, vector<16x16xf32>
    %reduce_sum3A_451 = arith.constant dense<0.000000e+00> : vector<16xf32>
    %reduce_sum3A_452 = vector.multi_reduction <add>, %select_n3A_450, %reduce_sum3A_451 [1] : vector<16x16xf32> to vector<16xf32>
    %broadcast_in_dim3A_453 = vector.shape_cast %reduce_sum3A_452 : vector<16xf32> to vector<16x1xf32>
    %eq3A_454 = vector.broadcast %broadcast_in_dim3A_441 : vector<16x1xf32> to vector<16x24xf32>
    %eq3A_455 = arith.cmpf oeq, %eq3A_454, %convert_element_type3A_171 : vector<16x24xf32>
    %gt3A_456 = arith.constant 0.000000e+00 : f32
    %gt3A_457 = vector.broadcast %gt3A_456 : f32 to vector<16x1xf32>
    %gt3A_458 = arith.cmpf ogt, %broadcast_in_dim3A_453, %gt3A_457 : vector<16x1xf32>
    %and3A_459 = vector.broadcast %gt3A_458 : vector<16x1xi1> to vector<16x24xi1>
    %and3A_460 = arith.andi %eq3A_455, %and3A_459 : vector<16x24xi1>
    %jit3A_461 = arith.constant 1.000000e+00 : f32
    %jit3A_462 = arith.constant 0.000000e+00 : f32
    %broadcast_in_dim3A_463 = vector.broadcast %jit3A_461 : f32 to vector<16x24xf32>
    %broadcast_in_dim3A_464 = vector.broadcast %jit3A_462 : f32 to vector<16x24xf32>
    %select_n3A_465 = arith.select %and3A_460, %broadcast_in_dim3A_463, %broadcast_in_dim3A_464 : vector<16x24xi1>, vector<16x24xf32>
    %reduce_sum3A_466 = arith.constant dense<0.000000e+00> : vector<24xf32>
    %reduce_sum3A_467 = vector.multi_reduction <add>, %select_n3A_465, %reduce_sum3A_466 [0] : vector<16x24xf32> to vector<24xf32>
    %broadcast_in_dim3A_468 = vector.shape_cast %reduce_sum3A_467 : vector<24xf32> to vector<1x24xf32>
    %mul3A_469 = arith.constant 5.000000e+00 : f32
    %mul3A_470 = vector.broadcast %mul3A_469 : f32 to vector<1x24xf32>
    %mul3A_471 = arith.mulf %mul3A_470, %broadcast_in_dim3A_468 : vector<1x24xf32>
    %add3A_472 = arith.addf %add3A_422, %mul3A_471 : vector<1x24xf32>
    %dot_general3A_473 = arith.constant dense<0.000000e+00> : vector<1x24xf32>
    %dot_general3A_474 = tpu.matmul %convert_element_type3A_173, %select_n3A_465, %dot_general3A_473 {dimension_numbers = #tpu.dot_dimension_numbers<[1], [0], [0], [1], [0, 0, 1, 1], [], []>, precision = #tpu.contract_precision<fp32>, transpose_lhs_hint = false} : vector<1x16xf32>, vector<16x24xf32>, vector<1x24xf32> -> vector<1x24xf32>
    %add3A_475 = arith.addf %add3A_425, %dot_general3A_474 : vector<1x24xf32>
    %slice3A_476 = vector.extract_strided_slice %convert_element_type3A_169 {offsets = [5, 0], sizes = [1, 16], strides = [1, 1]} : vector<8x16xf32> to vector<1x16xf32>
    %dot_general3A_477 = arith.constant dense<0.000000e+00> : vector<1x24xf32>
    %dot_general3A_478 = tpu.matmul %slice3A_476, %select_n3A_465, %dot_general3A_477 {dimension_numbers = #tpu.dot_dimension_numbers<[1], [0], [0], [1], [0, 0, 1, 1], [], []>, precision = #tpu.contract_precision<fp32>, transpose_lhs_hint = false} : vector<1x16xf32>, vector<16x24xf32>, vector<1x24xf32> -> vector<1x24xf32>
    %add3A_479 = arith.addf %add3A_429, %dot_general3A_478 : vector<1x24xf32>
    %slice3A_480 = vector.extract_strided_slice %add3A_159 {offsets = [6, 0], sizes = [1, 16], strides = [1, 1]} : vector<8x16xf32> to vector<1x16xf32>
    %iota3A_481 = tpu.iota {dimensions = array<i32: 0>} : vector<16x16xi32>
    %iota3A_482 = tpu.iota {dimensions = array<i32: 1>} : vector<16x16xi32>
    %eq3A_483 = arith.cmpi eq, %iota3A_481, %iota3A_482 : vector<16x16xi32>
    %jit3A_484 = arith.constant 0.000000e+00 : f32
    %broadcast_in_dim3A_485 = vector.shape_cast %slice3A_480 : vector<1x16xf32> to vector<1x16xf32>
    %broadcast_in_dim3A_486 = vector.broadcast %broadcast_in_dim3A_485 : vector<1x16xf32> to vector<16x16xf32>
    %broadcast_in_dim3A_487 = vector.broadcast %jit3A_484 : f32 to vector<16x16xf32>
    %select_n3A_488 = arith.select %eq3A_483, %broadcast_in_dim3A_486, %broadcast_in_dim3A_487 : vector<16x16xi1>, vector<16x16xf32>
    %reduce_sum3A_489 = arith.constant dense<0.000000e+00> : vector<16xf32>
    %reduce_sum3A_490 = vector.multi_reduction <add>, %select_n3A_488, %reduce_sum3A_489 [1] : vector<16x16xf32> to vector<16xf32>
    %broadcast_in_dim3A_491 = vector.shape_cast %reduce_sum3A_490 : vector<16xf32> to vector<16x1xf32>
    %slice3A_492 = vector.extract_strided_slice %convert_element_type3A_145 {offsets = [6, 0], sizes = [1, 16], strides = [1, 1]} : vector<8x16xf32> to vector<1x16xf32>
    %iota3A_493 = tpu.iota {dimensions = array<i32: 0>} : vector<16x16xi32>
    %iota3A_494 = tpu.iota {dimensions = array<i32: 1>} : vector<16x16xi32>
    %eq3A_495 = arith.cmpi eq, %iota3A_493, %iota3A_494 : vector<16x16xi32>
    %jit3A_496 = arith.constant 0.000000e+00 : f32
    %broadcast_in_dim3A_497 = vector.shape_cast %slice3A_492 : vector<1x16xf32> to vector<1x16xf32>
    %broadcast_in_dim3A_498 = vector.broadcast %broadcast_in_dim3A_497 : vector<1x16xf32> to vector<16x16xf32>
    %broadcast_in_dim3A_499 = vector.broadcast %jit3A_496 : f32 to vector<16x16xf32>
    %select_n3A_500 = arith.select %eq3A_495, %broadcast_in_dim3A_498, %broadcast_in_dim3A_499 : vector<16x16xi1>, vector<16x16xf32>
    %reduce_sum3A_501 = arith.constant dense<0.000000e+00> : vector<16xf32>
    %reduce_sum3A_502 = vector.multi_reduction <add>, %select_n3A_500, %reduce_sum3A_501 [1] : vector<16x16xf32> to vector<16xf32>
    %broadcast_in_dim3A_503 = vector.shape_cast %reduce_sum3A_502 : vector<16xf32> to vector<16x1xf32>
    %eq3A_504 = vector.broadcast %broadcast_in_dim3A_491 : vector<16x1xf32> to vector<16x24xf32>
    %eq3A_505 = arith.cmpf oeq, %eq3A_504, %convert_element_type3A_171 : vector<16x24xf32>
    %gt3A_506 = arith.constant 0.000000e+00 : f32
    %gt3A_507 = vector.broadcast %gt3A_506 : f32 to vector<16x1xf32>
    %gt3A_508 = arith.cmpf ogt, %broadcast_in_dim3A_503, %gt3A_507 : vector<16x1xf32>
    %and3A_509 = vector.broadcast %gt3A_508 : vector<16x1xi1> to vector<16x24xi1>
    %and3A_510 = arith.andi %eq3A_505, %and3A_509 : vector<16x24xi1>
    %jit3A_511 = arith.constant 1.000000e+00 : f32
    %jit3A_512 = arith.constant 0.000000e+00 : f32
    %broadcast_in_dim3A_513 = vector.broadcast %jit3A_511 : f32 to vector<16x24xf32>
    %broadcast_in_dim3A_514 = vector.broadcast %jit3A_512 : f32 to vector<16x24xf32>
    %select_n3A_515 = arith.select %and3A_510, %broadcast_in_dim3A_513, %broadcast_in_dim3A_514 : vector<16x24xi1>, vector<16x24xf32>
    %reduce_sum3A_516 = arith.constant dense<0.000000e+00> : vector<24xf32>
    %reduce_sum3A_517 = vector.multi_reduction <add>, %select_n3A_515, %reduce_sum3A_516 [0] : vector<16x24xf32> to vector<24xf32>
    %broadcast_in_dim3A_518 = vector.shape_cast %reduce_sum3A_517 : vector<24xf32> to vector<1x24xf32>
    %mul3A_519 = arith.constant 6.000000e+00 : f32
    %mul3A_520 = vector.broadcast %mul3A_519 : f32 to vector<1x24xf32>
    %mul3A_521 = arith.mulf %mul3A_520, %broadcast_in_dim3A_518 : vector<1x24xf32>
    %add3A_522 = arith.addf %add3A_472, %mul3A_521 : vector<1x24xf32>
    %dot_general3A_523 = arith.constant dense<0.000000e+00> : vector<1x24xf32>
    %dot_general3A_524 = tpu.matmul %convert_element_type3A_173, %select_n3A_515, %dot_general3A_523 {dimension_numbers = #tpu.dot_dimension_numbers<[1], [0], [0], [1], [0, 0, 1, 1], [], []>, precision = #tpu.contract_precision<fp32>, transpose_lhs_hint = false} : vector<1x16xf32>, vector<16x24xf32>, vector<1x24xf32> -> vector<1x24xf32>
    %add3A_525 = arith.addf %add3A_475, %dot_general3A_524 : vector<1x24xf32>
    %slice3A_526 = vector.extract_strided_slice %convert_element_type3A_169 {offsets = [6, 0], sizes = [1, 16], strides = [1, 1]} : vector<8x16xf32> to vector<1x16xf32>
    %dot_general3A_527 = arith.constant dense<0.000000e+00> : vector<1x24xf32>
    %dot_general3A_528 = tpu.matmul %slice3A_526, %select_n3A_515, %dot_general3A_527 {dimension_numbers = #tpu.dot_dimension_numbers<[1], [0], [0], [1], [0, 0, 1, 1], [], []>, precision = #tpu.contract_precision<fp32>, transpose_lhs_hint = false} : vector<1x16xf32>, vector<16x24xf32>, vector<1x24xf32> -> vector<1x24xf32>
    %add3A_529 = arith.addf %add3A_479, %dot_general3A_528 : vector<1x24xf32>
    %slice3A_530 = vector.extract_strided_slice %add3A_159 {offsets = [7, 0], sizes = [1, 16], strides = [1, 1]} : vector<8x16xf32> to vector<1x16xf32>
    %iota3A_531 = tpu.iota {dimensions = array<i32: 0>} : vector<16x16xi32>
    %iota3A_532 = tpu.iota {dimensions = array<i32: 1>} : vector<16x16xi32>
    %eq3A_533 = arith.cmpi eq, %iota3A_531, %iota3A_532 : vector<16x16xi32>
    %jit3A_534 = arith.constant 0.000000e+00 : f32
    %broadcast_in_dim3A_535 = vector.shape_cast %slice3A_530 : vector<1x16xf32> to vector<1x16xf32>
    %broadcast_in_dim3A_536 = vector.broadcast %broadcast_in_dim3A_535 : vector<1x16xf32> to vector<16x16xf32>
    %broadcast_in_dim3A_537 = vector.broadcast %jit3A_534 : f32 to vector<16x16xf32>
    %select_n3A_538 = arith.select %eq3A_533, %broadcast_in_dim3A_536, %broadcast_in_dim3A_537 : vector<16x16xi1>, vector<16x16xf32>
    %reduce_sum3A_539 = arith.constant dense<0.000000e+00> : vector<16xf32>
    %reduce_sum3A_540 = vector.multi_reduction <add>, %select_n3A_538, %reduce_sum3A_539 [1] : vector<16x16xf32> to vector<16xf32>
    %broadcast_in_dim3A_541 = vector.shape_cast %reduce_sum3A_540 : vector<16xf32> to vector<16x1xf32>
    %slice3A_542 = vector.extract_strided_slice %convert_element_type3A_145 {offsets = [7, 0], sizes = [1, 16], strides = [1, 1]} : vector<8x16xf32> to vector<1x16xf32>
    %iota3A_543 = tpu.iota {dimensions = array<i32: 0>} : vector<16x16xi32>
    %iota3A_544 = tpu.iota {dimensions = array<i32: 1>} : vector<16x16xi32>
    %eq3A_545 = arith.cmpi eq, %iota3A_543, %iota3A_544 : vector<16x16xi32>
    %jit3A_546 = arith.constant 0.000000e+00 : f32
    %broadcast_in_dim3A_547 = vector.shape_cast %slice3A_542 : vector<1x16xf32> to vector<1x16xf32>
    %broadcast_in_dim3A_548 = vector.broadcast %broadcast_in_dim3A_547 : vector<1x16xf32> to vector<16x16xf32>
    %broadcast_in_dim3A_549 = vector.broadcast %jit3A_546 : f32 to vector<16x16xf32>
    %select_n3A_550 = arith.select %eq3A_545, %broadcast_in_dim3A_548, %broadcast_in_dim3A_549 : vector<16x16xi1>, vector<16x16xf32>
    %reduce_sum3A_551 = arith.constant dense<0.000000e+00> : vector<16xf32>
    %reduce_sum3A_552 = vector.multi_reduction <add>, %select_n3A_550, %reduce_sum3A_551 [1] : vector<16x16xf32> to vector<16xf32>
    %broadcast_in_dim3A_553 = vector.shape_cast %reduce_sum3A_552 : vector<16xf32> to vector<16x1xf32>
    %eq3A_554 = vector.broadcast %broadcast_in_dim3A_541 : vector<16x1xf32> to vector<16x24xf32>
    %eq3A_555 = arith.cmpf oeq, %eq3A_554, %convert_element_type3A_171 : vector<16x24xf32>
    %gt3A_556 = arith.constant 0.000000e+00 : f32
    %gt3A_557 = vector.broadcast %gt3A_556 : f32 to vector<16x1xf32>
    %gt3A_558 = arith.cmpf ogt, %broadcast_in_dim3A_553, %gt3A_557 : vector<16x1xf32>
    %and3A_559 = vector.broadcast %gt3A_558 : vector<16x1xi1> to vector<16x24xi1>
    %and3A_560 = arith.andi %eq3A_555, %and3A_559 : vector<16x24xi1>
    %jit3A_561 = arith.constant 1.000000e+00 : f32
    %jit3A_562 = arith.constant 0.000000e+00 : f32
    %broadcast_in_dim3A_563 = vector.broadcast %jit3A_561 : f32 to vector<16x24xf32>
    %broadcast_in_dim3A_564 = vector.broadcast %jit3A_562 : f32 to vector<16x24xf32>
    %select_n3A_565 = arith.select %and3A_560, %broadcast_in_dim3A_563, %broadcast_in_dim3A_564 : vector<16x24xi1>, vector<16x24xf32>
    %reduce_sum3A_566 = arith.constant dense<0.000000e+00> : vector<24xf32>
    %reduce_sum3A_567 = vector.multi_reduction <add>, %select_n3A_565, %reduce_sum3A_566 [0] : vector<16x24xf32> to vector<24xf32>
    %broadcast_in_dim3A_568 = vector.shape_cast %reduce_sum3A_567 : vector<24xf32> to vector<1x24xf32>
    %mul3A_569 = arith.constant 7.000000e+00 : f32
    %mul3A_570 = vector.broadcast %mul3A_569 : f32 to vector<1x24xf32>
    %mul3A_571 = arith.mulf %mul3A_570, %broadcast_in_dim3A_568 : vector<1x24xf32>
    %add3A_572 = arith.addf %add3A_522, %mul3A_571 : vector<1x24xf32>
    %dot_general3A_573 = arith.constant dense<0.000000e+00> : vector<1x24xf32>
    %dot_general3A_574 = tpu.matmul %convert_element_type3A_173, %select_n3A_565, %dot_general3A_573 {dimension_numbers = #tpu.dot_dimension_numbers<[1], [0], [0], [1], [0, 0, 1, 1], [], []>, precision = #tpu.contract_precision<fp32>, transpose_lhs_hint = false} : vector<1x16xf32>, vector<16x24xf32>, vector<1x24xf32> -> vector<1x24xf32>
    %add3A_575 = arith.addf %add3A_525, %dot_general3A_574 : vector<1x24xf32>
    %slice3A_576 = vector.extract_strided_slice %convert_element_type3A_169 {offsets = [7, 0], sizes = [1, 16], strides = [1, 1]} : vector<8x16xf32> to vector<1x16xf32>
    %dot_general3A_577 = arith.constant dense<0.000000e+00> : vector<1x24xf32>
    %dot_general3A_578 = tpu.matmul %slice3A_576, %select_n3A_565, %dot_general3A_577 {dimension_numbers = #tpu.dot_dimension_numbers<[1], [0], [0], [1], [0, 0, 1, 1], [], []>, precision = #tpu.contract_precision<fp32>, transpose_lhs_hint = false} : vector<1x16xf32>, vector<16x24xf32>, vector<1x24xf32> -> vector<1x24xf32>
    %add3A_579 = arith.addf %add3A_529, %dot_general3A_578 : vector<1x24xf32>
    %iota3A_580 = tpu.iota {dimensions = array<i32: 1>} : vector<1x24xi32>
    %convert_element_type3A_581 = arith.sitofp %iota3A_580 : vector<1x24xi32> to vector<1x24xf32>
    %lt3A_582 = vector.broadcast %reduce_sum3A_164 : f32 to vector<1x24xf32>
    %lt3A_583 = arith.cmpf olt, %convert_element_type3A_581, %lt3A_582 : vector<1x24xf32>
    %convert_element_type3A_584 = arith.extui %lt3A_583 : vector<1x24xi1> to vector<1x24xi32>
    %sub3A_585 = arith.constant 1.000000e+00 : f32
    %sub3A_586 = arith.subf %reduce_sum3A_164, %sub3A_585 : f32
    %eq3A_587 = vector.broadcast %sub3A_586 : f32 to vector<1x24xf32>
    %eq3A_588 = arith.cmpf oeq, %convert_element_type3A_581, %eq3A_587 : vector<1x24xf32>
    %jit3A_589 = arith.constant 0.000000e+00 : f32
    %broadcast_in_dim3A_590 = vector.broadcast %jit3A_589 : f32 to vector<1x24xf32>
    %select_n3A_591 = arith.select %eq3A_588, %add3A_572, %broadcast_in_dim3A_590 : vector<1x24xi1>, vector<1x24xf32>
    %reduce_sum3A_592 = vector.shape_cast %select_n3A_591 : vector<1x24xf32> to vector<1x1x24xf32>
    %reduce_sum3A_593 = arith.constant dense<0.000000e+00> : vector<1xf32>
    %reduce_sum3A_594 = vector.multi_reduction <add>, %reduce_sum3A_592, %reduce_sum3A_593 [1, 2] : vector<1x1x24xf32> to vector<1xf32>
    %reduce_sum3A_595 = vector.shape_cast %reduce_sum3A_594 : vector<1xf32> to vector<1x1x1xf32>
    %reduce_sum3A_596 = vector.extract %reduce_sum3A_595[0, 0, 0] : f32 from vector<1x1x1xf32>
    %jit3A_597 = arith.constant 0.000000e+00 : f32
    %broadcast_in_dim3A_598 = vector.broadcast %jit3A_597 : f32 to vector<1x24xf32>
    %select_n3A_599 = arith.select %eq3A_588, %add3A_575, %broadcast_in_dim3A_598 : vector<1x24xi1>, vector<1x24xf32>
    %reduce_sum3A_600 = vector.shape_cast %select_n3A_599 : vector<1x24xf32> to vector<1x1x24xf32>
    %reduce_sum3A_601 = arith.constant dense<0.000000e+00> : vector<1xf32>
    %reduce_sum3A_602 = vector.multi_reduction <add>, %reduce_sum3A_600, %reduce_sum3A_601 [1, 2] : vector<1x1x24xf32> to vector<1xf32>
    %reduce_sum3A_603 = vector.shape_cast %reduce_sum3A_602 : vector<1xf32> to vector<1x1x1xf32>
    %reduce_sum3A_604 = vector.extract %reduce_sum3A_603[0, 0, 0] : f32 from vector<1x1x1xf32>
    %eq3A_605 = arith.constant 1 : i32
    %eq3A_606 = vector.broadcast %eq3A_605 : i32 to vector<1x24xi32>
    %eq3A_607 = arith.cmpi eq, %convert_element_type3A_584, %eq3A_606 : vector<1x24xi32>
    %broadcast_in_dim3A_608 = vector.broadcast %reduce_sum3A_596 : f32 to vector<1x24xf32>
    %select_n3A_609 = arith.select %eq3A_607, %add3A_572, %broadcast_in_dim3A_608 : vector<1x24xi1>, vector<1x24xf32>
    %eq3A_610 = arith.constant 1 : i32
    %eq3A_611 = vector.broadcast %eq3A_610 : i32 to vector<1x24xi32>
    %eq3A_612 = arith.cmpi eq, %convert_element_type3A_584, %eq3A_611 : vector<1x24xi32>
    %broadcast_in_dim3A_613 = vector.broadcast %reduce_sum3A_604 : f32 to vector<1x24xf32>
    %select_n3A_614 = arith.select %eq3A_612, %add3A_575, %broadcast_in_dim3A_613 : vector<1x24xi1>, vector<1x24xf32>
    %eq3A_615 = arith.constant 1 : i32
    %eq3A_616 = vector.broadcast %eq3A_615 : i32 to vector<1x24xi32>
    %eq3A_617 = arith.cmpi eq, %convert_element_type3A_584, %eq3A_616 : vector<1x24xi32>
    %jit3A_618 = arith.constant 0.000000e+00 : f32
    %broadcast_in_dim3A_619 = vector.broadcast %jit3A_618 : f32 to vector<1x24xf32>
    %select_n3A_620 = arith.select %eq3A_617, %add3A_579, %broadcast_in_dim3A_619 : vector<1x24xi1>, vector<1x24xf32>
    %broadcast_in_dim3A_621 = arith.constant 2.048000e+03 : f32
    %broadcast_in_dim3A_622 = vector.broadcast %broadcast_in_dim3A_621 : f32 to vector<1x8xf32>
    %concatenate3A_623 = tpu.concatenate %dot_general3A_116, %broadcast_in_dim3A_622 in 1 : vector<1x16xf32>, vector<1x8xf32> -> vector<1x24xf32>
    %broadcast_in_dim3A_624 = arith.constant 0.000000e+00 : f32
    %broadcast_in_dim3A_625 = vector.broadcast %broadcast_in_dim3A_624 : f32 to vector<1x24xf32>
    %convert_element_type3A_626 = arith.sitofp %convert_element_type3A_584 : vector<1x24xi32> to vector<1x24xf32>
    %concatenate3A_627 = tpu.concatenate %select_n3A_609, %select_n3A_614, %select_n3A_620, %convert_element_type3A_626, %concatenate3A_623, %broadcast_in_dim3A_625, %broadcast_in_dim3A_625, %broadcast_in_dim3A_625 in 0 : vector<1x24xf32>, vector<1x24xf32>, vector<1x24xf32>, vector<1x24xf32>, vector<1x24xf32>, vector<1x24xf32>, vector<1x24xf32>, vector<1x24xf32> -> vector<8x24xf32>
    %convert_element_type3A_628 = arith.fptosi %concatenate3A_627 : vector<8x24xf32> to vector<8x24xi32>
    %swap3A_629 = arith.constant 0 : index
    %swap3A_630 = arith.constant 0 : index
    %swap3A_631 = vector.load %arg3[%swap3A_629, %swap3A_630] : memref<8x24xi32, #tpu.memory_space<vmem>>, vector<8x24xi32>
    tpu.vector_store %arg3[%swap3A_629, %swap3A_630], %convert_element_type3A_628 {strides = array<i32>} : memref<8x24xi32, #tpu.memory_space<vmem>>, vector<8x24xi32>,
    %reshape3A = vector.broadcast %mul3A_109 : f32 to vector<1x1xf32>
    %reshape3A_632 = vector.broadcast %div3A_17 : f32 to vector<1x1xf32>
    %concatenate3A_633 = tpu.concatenate %reshape3A, %reshape3A_632 in 1 : vector<1x1xf32>, vector<1x1xf32> -> vector<1x2xf32>
    %swap3A_634 = arith.constant 0 : index
    %swap3A_635 = arith.constant 0 : index
    %swap3A_636 = vector.load %arg4[%swap3A_634, %swap3A_635] : memref<1x2xf32, #tpu.memory_space<vmem>>, vector<1x2xf32>
    tpu.vector_store %arg4[%swap3A_634, %swap3A_635], %concatenate3A_633 {strides = array<i32>} : memref<1x2xf32, #tpu.memory_space<vmem>>, vector<1x2xf32>,
    return
  }
}

module attributes {stable_mosaic.version = 14 : i64} {
  func.func @_mlp_body(%arg0: i32, %arg1: memref<8x24xi32, #tpu.memory_space<smem>>, %arg2: memref<256x768xf32, #tpu.memory_space<vmem>>, %arg3: memref<1x768x768xf32, #tpu.memory_space<vmem>>, %arg4: memref<1x1x768xf32, #tpu.memory_space<vmem>>, %arg5: memref<1x768x768xf32, #tpu.memory_space<vmem>>, %arg6: memref<1x1x768xf32, #tpu.memory_space<vmem>>, %arg7: memref<256x768xf32, #tpu.memory_space<vmem>>) attributes {dimension_semantics = [#tpu.dimension_semantics<arbitrary>], iteration_bounds = array<i64: 24>, scalar_prefetch = 1 : i64, scratch_operands = 0 : i64, tpu.core_type = #tpu.core_type<tc>, window_params = [{transform_indices = @transform_0, window_bounds = array<i64: 256, 768>}, {transform_indices = @transform_1, window_bounds = array<i64: 1, 768, 768>}, {transform_indices = @transform_2, window_bounds = array<i64: 1, 1, 768>}, {transform_indices = @transform_3, window_bounds = array<i64: 1, 768, 768>}, {transform_indices = @transform_4, window_bounds = array<i64: 1, 1, 768>}, {transform_indices = @transform_5, window_bounds = array<i64: 256, 768>}]} {
    %get3A = arith.constant 0 : index
    %get3A_0 = arith.index_cast %arg0 : i32 to index
    %get3A_1 = memref.load %arg1[%get3A, %get3A_0] : memref<8x24xi32, #tpu.memory_space<smem>>
    %get3A_2 = arith.constant 1 : index
    %get3A_3 = arith.index_cast %arg0 : i32 to index
    %get3A_4 = memref.load %arg1[%get3A_2, %get3A_3] : memref<8x24xi32, #tpu.memory_space<smem>>
    %get3A_5 = arith.constant 2 : index
    %get3A_6 = arith.index_cast %arg0 : i32 to index
    %get3A_7 = memref.load %arg1[%get3A_5, %get3A_6] : memref<8x24xi32, #tpu.memory_space<smem>>
    %get3A_8 = arith.constant 3 : index
    %get3A_9 = arith.index_cast %arg0 : i32 to index
    %get3A_10 = memref.load %arg1[%get3A_8, %get3A_9] : memref<8x24xi32, #tpu.memory_space<smem>>
    %get3A_11 = arith.constant 4 : index
    %get3A_12 = arith.index_cast %get3A_4 : i32 to index
    %get3A_13 = memref.load %arg1[%get3A_11, %get3A_12] : memref<8x24xi32, #tpu.memory_space<smem>>
    %add3A = arith.constant 1 : i32
    %add3A_14 = arith.addi %get3A_4, %add3A : i32
    %get3A_15 = arith.constant 4 : index
    %get3A_16 = arith.index_cast %add3A_14 : i32 to index
    %get3A_17 = memref.load %arg1[%get3A_15, %get3A_16] : memref<8x24xi32, #tpu.memory_space<smem>>
    %get3A_18 = arith.constant 0 : index
    %get3A_19 = arith.constant 0 : index
    %get3A_20 = vector.load %arg2[%get3A_18, %get3A_19] : memref<256x768xf32, #tpu.memory_space<vmem>>, vector<256x768xf32>
    %get3A_21 = arith.constant 0 : index
    %get3A_22 = arith.constant 0 : index
    %get3A_23 = arith.constant 0 : index
    %get3A_24 = vector.load %arg3[%get3A_21, %get3A_22, %get3A_23] : memref<1x768x768xf32, #tpu.memory_space<vmem>>, vector<1x768x768xf32>
    %get3A_25 = vector.shape_cast %get3A_24 : vector<1x768x768xf32> to vector<768x768xf32>
    %dot_general3A = arith.constant dense<0.000000e+00> : vector<256x768xf32>
    %dot_general3A_26 = tpu.matmul %get3A_20, %get3A_25, %dot_general3A {dimension_numbers = #tpu.dot_dimension_numbers<[1], [1], [0], [0], [0, 0, 1, 0], [], []>, transpose_lhs_hint = false} : vector<256x768xf32>, vector<768x768xf32>, vector<256x768xf32> -> vector<256x768xf32>
    %get3A_27 = arith.constant 0 : index
    %get3A_28 = arith.constant 0 : index
    %get3A_29 = arith.constant 0 : index
    %get3A_30 = vector.load %arg4[%get3A_27, %get3A_28, %get3A_29] : memref<1x1x768xf32, #tpu.memory_space<vmem>>, vector<1x1x768xf32>
    %get3A_31 = vector.shape_cast %get3A_30 : vector<1x1x768xf32> to vector<1x768xf32>
    %add3A_32 = vector.broadcast %get3A_31 : vector<1x768xf32> to vector<256x768xf32>
    %add3A_33 = arith.addf %dot_general3A_26, %add3A_32 : vector<256x768xf32>
    %mul3A = arith.constant 5.000000e-01 : f32
    %mul3A_34 = vector.broadcast %mul3A : f32 to vector<256x768xf32>
    %mul3A_35 = arith.mulf %mul3A_34, %add3A_33 : vector<256x768xf32>
    %mul3A_36 = arith.constant 0.707106769 : f32
    %mul3A_37 = vector.broadcast %mul3A_36 : f32 to vector<256x768xf32>
    %mul3A_38 = arith.mulf %add3A_33, %mul3A_37 : vector<256x768xf32>
    %erf3A = math.erf %mul3A_38 : vector<256x768xf32>
    %add3A_39 = arith.constant 1.000000e+00 : f32
    %add3A_40 = vector.broadcast %add3A_39 : f32 to vector<256x768xf32>
    %add3A_41 = arith.addf %add3A_40, %erf3A : vector<256x768xf32>
    %mul3A_42 = arith.mulf %mul3A_35, %add3A_41 : vector<256x768xf32>
    %get3A_43 = arith.constant 0 : index
    %get3A_44 = arith.constant 0 : index
    %get3A_45 = arith.constant 0 : index
    %get3A_46 = vector.load %arg5[%get3A_43, %get3A_44, %get3A_45] : memref<1x768x768xf32, #tpu.memory_space<vmem>>, vector<1x768x768xf32>
    %get3A_47 = vector.shape_cast %get3A_46 : vector<1x768x768xf32> to vector<768x768xf32>
    %dot_general3A_48 = arith.constant dense<0.000000e+00> : vector<256x768xf32>
    %dot_general3A_49 = tpu.matmul %mul3A_42, %get3A_47, %dot_general3A_48 {dimension_numbers = #tpu.dot_dimension_numbers<[1], [1], [0], [0], [0, 0, 1, 0], [], []>, transpose_lhs_hint = false} : vector<256x768xf32>, vector<768x768xf32>, vector<256x768xf32> -> vector<256x768xf32>
    %get3A_50 = arith.constant 0 : index
    %get3A_51 = arith.constant 0 : index
    %get3A_52 = arith.constant 0 : index
    %get3A_53 = vector.load %arg6[%get3A_50, %get3A_51, %get3A_52] : memref<1x1x768xf32, #tpu.memory_space<vmem>>, vector<1x1x768xf32>
    %get3A_54 = vector.shape_cast %get3A_53 : vector<1x1x768xf32> to vector<1x768xf32>
    %add3A_55 = vector.broadcast %get3A_54 : vector<1x768xf32> to vector<256x768xf32>
    %add3A_56 = arith.addf %dot_general3A_49, %add3A_55 : vector<256x768xf32>
    %mul3A_57 = arith.constant 256 : i32
    %mul3A_58 = arith.muli %get3A_1, %mul3A_57 : i32
    %iota3A = tpu.iota {dimensions = array<i32: 0>} : vector<256x1xi32>
    %add3A_59 = vector.broadcast %mul3A_58 : i32 to vector<256x1xi32>
    %add3A_60 = arith.addi %add3A_59, %iota3A : vector<256x1xi32>
    %ge3A = vector.broadcast %get3A_13 : i32 to vector<256x1xi32>
    %ge3A_61 = arith.cmpi sge, %add3A_60, %ge3A : vector<256x1xi32>
    %lt3A = vector.broadcast %get3A_17 : i32 to vector<256x1xi32>
    %lt3A_62 = arith.cmpi slt, %add3A_60, %lt3A : vector<256x1xi32>
    %and3A = arith.andi %ge3A_61, %lt3A_62 : vector<256x1xi1>
    %gt3A = arith.constant 0 : i32
    %gt3A_63 = arith.cmpi sgt, %get3A_10, %gt3A : i32
    %and3A_64 = vector.broadcast %gt3A_63 : i1 to vector<256x1xi1>
    %and3A_65 = arith.andi %and3A, %and3A_64 : vector<256x1xi1>
    %jit3A = arith.constant 0.000000e+00 : f32
    %broadcast_in_dim3A = vector.shape_cast %and3A_65 : vector<256x1xi1> to vector<256x1xi1>
    %broadcast_in_dim3A_66 = vector.broadcast %broadcast_in_dim3A : vector<256x1xi1> to vector<256x768xi1>
    %broadcast_in_dim3A_67 = vector.broadcast %jit3A : f32 to vector<256x768xf32>
    %select_n3A = arith.select %broadcast_in_dim3A_66, %add3A_56, %broadcast_in_dim3A_67 : vector<256x768xi1>, vector<256x768xf32>
    %eq3A = arith.constant 1 : i32
    %eq3A_68 = arith.cmpi eq, %get3A_7, %eq3A : i32
    %convert_element_type3A = arith.extui %eq3A_68 : i1 to i32
    %cond3A = arith.constant 0 : i32
    %cond3A_69 = arith.cmpi ne, %convert_element_type3A, %cond3A : i32
    scf.if %cond3A_69 {
      %swap3A = arith.constant 0 : index
      %swap3A_75 = arith.constant 0 : index
      %swap3A_76 = vector.load %arg7[%swap3A, %swap3A_75] : memref<256x768xf32, #tpu.memory_space<vmem>>, vector<256x768xf32>
      tpu.vector_store %arg7[%swap3A, %swap3A_75], %select_n3A {strides = array<i32>} : memref<256x768xf32, #tpu.memory_space<vmem>>, vector<256x768xf32>,
    } else {
    }
    %eq3A_70 = arith.constant 0 : i32
    %eq3A_71 = arith.cmpi eq, %get3A_7, %eq3A_70 : i32
    %convert_element_type3A_72 = arith.extui %eq3A_71 : i1 to i32
    %cond3A_73 = arith.constant 0 : i32
    %cond3A_74 = arith.cmpi ne, %convert_element_type3A_72, %cond3A_73 : i32
    scf.if %cond3A_74 {
      %get3A_75 = arith.constant 0 : index
      %get3A_76 = arith.constant 0 : index
      %get3A_77 = vector.load %arg7[%get3A_75, %get3A_76] : memref<256x768xf32, #tpu.memory_space<vmem>>, vector<256x768xf32>
      %add3A_78 = arith.addf %get3A_77, %select_n3A : vector<256x768xf32>
      %swap3A = arith.constant 0 : index
      %swap3A_79 = arith.constant 0 : index
      %swap3A_80 = vector.load %arg7[%swap3A, %swap3A_79] : memref<256x768xf32, #tpu.memory_space<vmem>>, vector<256x768xf32>
      tpu.vector_store %arg7[%swap3A, %swap3A_79], %add3A_78 {strides = array<i32>} : memref<256x768xf32, #tpu.memory_space<vmem>>, vector<256x768xf32>,
    } else {
    }
    return
  }
  func.func @transform_0(%arg0: i32, %arg1: memref<8x24xi32, #tpu.memory_space<smem>>) -> (i32, i32) {
    %get3A = arith.constant 0 : index
    %get3A_0 = arith.index_cast %arg0 : i32 to index
    %get3A_1 = memref.load %arg1[%get3A, %get3A_0] : memref<8x24xi32, #tpu.memory_space<smem>>
    %c0_i32 = arith.constant 0 : i32
    %c0_i32_2 = arith.constant 0 : i32
    return %get3A_1, %c0_i32 : i32, i32
  }
  func.func @transform_1(%arg0: i32, %arg1: memref<8x24xi32, #tpu.memory_space<smem>>) -> (i32, i32, i32) {
    %get3A = arith.constant 1 : index
    %get3A_0 = arith.index_cast %arg0 : i32 to index
    %get3A_1 = memref.load %arg1[%get3A, %get3A_0] : memref<8x24xi32, #tpu.memory_space<smem>>
    %c0_i32 = arith.constant 0 : i32
    %c0_i32_2 = arith.constant 0 : i32
    %c0_i32_3 = arith.constant 0 : i32
    return %get3A_1, %c0_i32, %c0_i32_2 : i32, i32, i32
  }
  func.func @transform_2(%arg0: i32, %arg1: memref<8x24xi32, #tpu.memory_space<smem>>) -> (i32, i32, i32) {
    %get3A = arith.constant 1 : index
    %get3A_0 = arith.index_cast %arg0 : i32 to index
    %get3A_1 = memref.load %arg1[%get3A, %get3A_0] : memref<8x24xi32, #tpu.memory_space<smem>>
    %c0_i32 = arith.constant 0 : i32
    %c0_i32_2 = arith.constant 0 : i32
    %c0_i32_3 = arith.constant 0 : i32
    return %get3A_1, %c0_i32, %c0_i32_2 : i32, i32, i32
  }
  func.func @transform_3(%arg0: i32, %arg1: memref<8x24xi32, #tpu.memory_space<smem>>) -> (i32, i32, i32) {
    %get3A = arith.constant 1 : index
    %get3A_0 = arith.index_cast %arg0 : i32 to index
    %get3A_1 = memref.load %arg1[%get3A, %get3A_0] : memref<8x24xi32, #tpu.memory_space<smem>>
    %c0_i32 = arith.constant 0 : i32
    %c0_i32_2 = arith.constant 0 : i32
    %c0_i32_3 = arith.constant 0 : i32
    return %get3A_1, %c0_i32, %c0_i32_2 : i32, i32, i32
  }
  func.func @transform_4(%arg0: i32, %arg1: memref<8x24xi32, #tpu.memory_space<smem>>) -> (i32, i32, i32) {
    %get3A = arith.constant 1 : index
    %get3A_0 = arith.index_cast %arg0 : i32 to index
    %get3A_1 = memref.load %arg1[%get3A, %get3A_0] : memref<8x24xi32, #tpu.memory_space<smem>>
    %c0_i32 = arith.constant 0 : i32
    %c0_i32_2 = arith.constant 0 : i32
    %c0_i32_3 = arith.constant 0 : i32
    return %get3A_1, %c0_i32, %c0_i32_2 : i32, i32, i32
  }
  func.func @transform_5(%arg0: i32, %arg1: memref<8x24xi32, #tpu.memory_space<smem>>) -> (i32, i32) {
    %get3A = arith.constant 0 : index
    %get3A_0 = arith.index_cast %arg0 : i32 to index
    %get3A_1 = memref.load %arg1[%get3A, %get3A_0] : memref<8x24xi32, #tpu.memory_space<smem>>
    %c0_i32 = arith.constant 0 : i32
    %c0_i32_2 = arith.constant 0 : i32
    return %get3A_1, %c0_i32 : i32, i32
  }
}

</mosaic_0001>

<sc_bundles>
// kernel: kernel.6.cloned.1.call-start
scs
__scs_entry_jumppad:
0x0: {  	(pc) =	sbr.rel $0x88, $3  }
0x1: {  	(tag) =	ssettag $0x0;
	lr =	simm.s32 $0x1  }
0x2: {  	[smem:$0x3F9B] =	sst lr;
	_ =	strace $0xD0000000  }
0x3: {  	_ = 	snop  }
0x4: {  	_ = 	snop  }
0x5: {  	_ = 	snop  }
0x6: {  	_ = 	snop  }
0x7: {  	_ = 	snop  }
__scs_overlays_trampoline_lowered:
0x8: {  	[smem:$0x3FAA] =	sst s0  }
0x9: {  	[smem:$0x3FAB] =	sst s1  }
0xa: {  	[smem:$0x3FAC] =	sst s2  }
0xb: {  	[smem:$0x3FAD] =	sst s3  }
0xc: {  	[smem:$0x3FAE] =	sst s4  }
0xd: {  	[smem:$0x3FAF] =	sst s5  }
0xe: {  	[smem:$0x3FB0] =	sst s6  }
0xf: {  	[smem:$0x3FB1] =	sst s7  }
0x10: {  	[smem:$0x3FB2] =	sst s8  }
0x11: {  	[smem:$0x3FB3] =	sst s9;
	s0 =	simm.s32 @!p0 $0x0  }
0x12: {  	s1 =	sld [smem:$0x3F99];
	s0 =	simm.s32 @p0 $0x1  }
0x13: {  	[smem:$0x3FB4] =	sst s0;
	s0 =	simm.s32 @!p1 $0x0  }
0x14: {  	s2 =	sld [smem:$0x3F98];
	s0 =	simm.s32 @p1 $0x1  }
0x15: {  	[smem:$0x3FB5] =	sst s0;
	s0 =	simm.s32 @!p2 $0x0  }
0x16: {  	s3 =	sld [smem:$0x3FDB];
	s0 =	simm.s32 @p2 $0x1  }
0x17: {  	s4 =	simm.s32 $0x1BF5;
	[smem:$0x3FB7] =	sst s0  }
0x18: {  	s0 =	sld [smem:$0x3F9A];
	_ =	swait.ge [sflag:s4], $0x0  }
0x19: {  	s7 =	sld [smem:$0x3F9B]  }
0x1a: {  	s8 =	sadd.s32 $0xFFFFE003, lr  }
0x1b: {  	s9 =	sadd.s32 $0xFFFFFEF7, lr;
	s5 =	simm.s32 $0xFFFFFFFF;
	p2 =	slt.u32 s8, $0xFFFFF086  }
0x1c: {  	p1 =	slt.u32 s9, $0xF7A;
	s5 =	simm.s32 @!p2 $0x0  }
0x1d: {  	s5 =	simm.s32 @p1 $0x1;
	p0 =	seq.s32 s7, s2  }
0x1e: {  	s7 =	smul.u32 @!p0 $0xF7A, s2;
	p2 =	seq.s32 @!p0 s5, $0x0  }
0x1f: {  	s9 =	smul.u32 $0xF7A, s1;
	s8 =	simm.s32 @!p0 $0x1BF5;
	p2 =	por !p2, p0  }
0x20: {  	[sflag:s8] =	ssyncset.s32 @!p0 $0xFFFFF086;
	s6 =	sadd.s32 @!p0 s3, s7;
	s7 =	simm.s32 @!p0 $0x108  }
0x21: {  	s3 =	sadd.s32 s3, s9;
	s6 =	sadd.s32 @!p0 $0x88, s6;
	s7 =	simm.s32 @p2 $0x1082  }
0x22: {  	[simem:s7], [sflag:s8] =	dma.local @!p0 [hbm:s6], $0xF7A  }
0x23: {  	s9 =	sor.u32 $0xD0000000, s2;
	s6 =	simm.s32 $0x108;
	_ =	swait.ge @!p0 [sflag:s8], $0x0  }
0x24: {  	s3 =	sadd.s32 $0x88, s3;
	s6 =	simm.s32 @!p1 $0x1082;
	[sflag:s4] =	ssyncset.s32 $0xFFFFF086  }
0x25: {  	[simem:s6], [sflag:s4] =	dma.local [hbm:s3], $0xF7A  }
0x26: {  	[smem:$0x3F9B] =	sst s1;
	(tag) =	ssettag s2;
	_ =	strace s9  }
0x27: {  	s1 =	sld [smem:$0x3FAB]  }
0x28: {  	s2 =	sld [smem:$0x3FAC]  }
0x29: {  	s4 =	sld [smem:$0x3FAE]  }
0x2a: {  	p0 =	seq.s32 s5, $0x0;
	s5 =	sld [smem:$0x3FAF]  }
0x2b: {  	s6 =	sld [smem:$0x3FB0]  }
0x2c: {  	s7 =	sld [smem:$0x3FB1]  }
0x2d: {  	s3 =	simm.s32 $0x108;
	s8 =	sld [smem:$0x3FB2]  }
0x2e: {  	s3 =	simm.s32 @!p0 $0x1082;
	s9 =	sld [smem:$0x3FB3]  }
0x2f: {  	lr =	sadd.s32 s0, s3;
	s0 =	sld [smem:$0x3FAA]  }
0x30: {  	s3 =	sld [smem:$0x3FAD]  }
0x31: {  	[smem:$0x3FB6] =	sst s10  }
0x32: {  	s10 =	sld [smem:$0x3FB4];
	_ =	sdelay $0x3  }
0x33: {  	p0 =	seq.s32 s10, $0x1;
	s10 =	sld [smem:$0x3FB6];
	_ =	sdelay $0x3  }
0x34: {  	[smem:$0x3FB6] =	sst s10  }
0x35: {  	s10 =	sld [smem:$0x3FB5];
	_ =	sdelay $0x3  }
0x36: {  	p1 =	seq.s32 s10, $0x1;
	s10 =	sld [smem:$0x3FB6];
	_ =	sdelay $0x3  }
0x37: {  	[smem:$0x3FB6] =	sst s10  }
0x38: {  	s10 =	sld [smem:$0x3FB7]  }
0x39: {  	_ = 	snop;
	(pc) =	sbr.ind lr, $3  }
0x3a: {  	_ = 	snop  }
0x3b: {  	_ = 	snop  }
0x3c: {  	p2 =	seq.s32 s10, $0x1;
	s10 =	sld [smem:$0x3FB6]  }
0x3d: {  	_ =	shalt  }
0x3e: {  	_ =	shalt  }
0x3f: {  	_ =	shalt  }
0x40: {  	_ =	shalt  }
0x41: {  	_ =	shalt  }
0x42: {  	_ =	shalt  }
0x43: {  	_ =	shalt  }
0x44: {  	_ =	shalt  }
0x45: {  	_ =	shalt  }
0x46: {  	_ =	shalt  }
0x47: {  	_ =	shalt  }
0x48: {  	_ =	shalt  }
0x49: {  	_ =	shalt  }
0x4a: {  	_ =	shalt  }
0x4b: {  	_ =	shalt  }
0x4c: {  	_ =	shalt  }
0x4d: {  	_ =	shalt  }
0x4e: {  	_ =	shalt  }
0x4f: {  	_ =	shalt  }
0x50: {  	_ =	shalt  }
0x51: {  	_ =	shalt  }
0x52: {  	_ =	shalt  }
0x53: {  	_ =	shalt  }
0x54: {  	_ =	shalt  }
0x55: {  	_ =	shalt  }
0x56: {  	_ =	shalt  }
0x57: {  	_ =	shalt  }
0x58: {  	_ =	shalt  }
0x59: {  	_ =	shalt  }
0x5a: {  	_ =	shalt  }
0x5b: {  	_ =	shalt  }
0x5c: {  	_ =	shalt  }
0x5d: {  	_ =	shalt  }
0x5e: {  	_ =	shalt  }
0x5f: {  	_ =	shalt  }
0x60: {  	_ =	shalt  }
0x61: {  	_ =	shalt  }
0x62: {  	_ =	shalt  }
0x63: {  	_ =	shalt  }
0x64: {  	_ =	shalt  }
0x65: {  	_ =	shalt  }
0x66: {  	_ =	shalt  }
0x67: {  	_ =	shalt  }
0x68: {  	_ =	shalt  }
0x69: {  	_ =	shalt  }
0x6a: {  	_ =	shalt  }
0x6b: {  	_ =	shalt  }
0x6c: {  	_ =	shalt  }
0x6d: {  	_ =	shalt  }
0x6e: {  	_ =	shalt  }
0x6f: {  	_ =	shalt  }
0x70: {  	_ =	shalt  }
0x71: {  	_ =	shalt  }
0x72: {  	_ =	shalt  }
0x73: {  	_ =	shalt  }
0x74: {  	_ =	shalt  }
0x75: {  	_ =	shalt  }
0x76: {  	_ =	shalt  }
0x77: {  	_ =	shalt  }
0x78: {  	_ =	shalt  }
0x79: {  	_ =	shalt  }
0x7a: {  	_ =	shalt  }
0x7b: {  	_ =	shalt  }
0x7c: {  	_ =	shalt  }
0x7d: {  	_ =	shalt  }
0x7e: {  	_ =	shalt  }
0x7f: {  	_ =	shalt  }
0x80: {  	_ =	shalt  }
0x81: {  	_ =	shalt  }
0x82: {  	_ =	shalt  }
0x83: {  	_ =	shalt  }
0x84: {  	_ =	shalt  }
0x85: {  	_ =	shalt  }
0x86: {  	_ =	shalt  }
0x87: {  	_ =	shalt  }
.Lfunc_end0:
.L_simem_size_0:
called_computation_lowered:
.L_overlay_start_0:
0x88: {  	s2 =	sld [smem:$0x3FD9]  }
0x89: {  	s3 =	sld [smem:$0x3FFE];
	_ =	sdelay $0x1  }
0x8a: {  	s1 =	srdreg.scid  }
0x8b: {  	s0 =	sand.u32 $0x1, s1  }
0x8c: {  	s14 =	sshll.u32 s0, $0xA;
	s2 =	sadd.s32 s3, s2  }
0x8d: {  	s2 =	sadd.s32 s2, s14  }
0x8e: {  	[smem:$0x3FC2] =	sst s2  }
0x8f: {  	_ = 	snop  }
0x90: {  	s2 =	sld [smem:$0x3FD0];
	_ =	sdelay $0x2  }
0x91: {  	s4 =	simm.s32 $0xA;
	s5 =	simm.s32 $0x10;
	s15 =	sld [smem:$0x3FC9]  }
0x92: {  	[smem:s5], [sflag:s4] =	dma.local [hbm:s2], $0x1  }
0x93: {  	_ =	swait.eq [sflag:s4], $0x1  }
0x94: {  	[sflag:s4] =	ssyncset.done $0x0  }
0x95: {  	[sflag:s4] =	ssyncadd.s32 $0xFFFFFFFF  }
0x96: {  	s16 =	sld [smem:$0x10];
	(tm) =	ssettm $0x1  }
0x97: {  	s17 =	sld [smem:$0x3FFB];
	_ =	sdelay $0x3  }
0x98: {  	_ =	strace s17  }
0x99: {  	s4 =	sld [smem:$0x3FFC];
	_ =	sdelay $0x3  }
0x9a: {  	_ =	strace s4  }
0x9b: {  	s4 =	sld [smem:$0x3FFD];
	_ =	sdelay $0x3  }
0x9c: {  	_ =	strace s4  }
0x9d: {  	_ =	strace $0x8FFFFFFF  }
0x9e: {  	s18 =	sld [smem:$0x3FDB];
	_ =	sdelay $0x1  }
0x9f: {  	s19 =	simm.s32 $_scs_section_size  }
0xa0: {  	s6 =	simm.s32 $_size__tile_overlayer_lowered;
	s7 =	simm.s32 $_tile_overlayer_lowered  }
0xa1: {  	s22 =	simm.s32 $0x1BFF;
	s21 =	sshll.u32 s7, $0x1;
	s4 =	sadd.s32 s19, s18  }
0xa2: {  	s8 =	simm.s32 $0x0;
	s20 =	sshll.u32 s6, $0x1;
	s6 =	sadd.s32 s21, s4  }
0xa3: {  	[timem:s8], [sflag:s22] =	dma.local [hbm:s6], s20  }
0xa4: {  	_ =	swait.ge [sflag:s22], s20  }
0xa5: {  	s5 =	ssub.s32 $0x0, s20;
	[sflag:s22] =	ssyncset.done $0x0  }
0xa6: {  	[sflag:s22] =	ssyncadd.s32 s5;
	_ =	sdelay $0x1  }
0xa7: {  	s23 =	simm.s32 $0x1B8B  }
0xa8: {  	_ =	swait.ge [sflag:s23], $0x1  }
0xa9: {  	[sflag:s23] =	ssyncset.done $0x0  }
0xaa: {  	s25 =	simm.s32 $0x1B8E;
	s24 =	sld [smem:$0x3FFE];
	[sflag:s23] =	ssyncadd.s32 $0xFFFFFFFF  }
0xab: {  	s26 =	simm.s32 $execute0_lowered;
	[smem:$0x3FD2] =	sst s25  }
0xac: {  	s6 =	sshll.u32 s26, $0x1;
	_ =	strace $0x80000046;
	[dreg:$0x1] =	wrdreg $0xFFFFFFFF  }
0xad: {  	s28 =	simm.s32 $_size_execute0_lowered;
	s4 =	sadd.s32 s4, s6;
	[dreg:$0x0] =	wrdreg $0x0  }
0xae: {  	s6 =	sshll.u32 s28, $0x1;
	[dreg:$0x2] =	wrdreg s4  }
0xaf: {  	[dreg:$0x3] =	wrdreg s6  }
0xb0: {  	[dreg:$0x4] =	wrdreg $0xC0  }
0xb1: {  	_ =	task [dreg:s8], $0x5FFFF  }
0xb2: {  	[dreg:$0x1] =	wrdreg $0xFFFFFFFF  }
0xb3: {  	[dreg:$0x0] =	wrdreg $0x60  }
0xb4: {  	[dreg:$0x2] =	wrdreg s15  }
0xb5: {  	[dreg:$0x3] =	wrdreg s24  }
0xb6: {  	[dreg:$0x4] =	wrdreg s16  }
0xb7: {  	[dreg:$0x5] =	wrdreg $0x9  }
0xb8: {  	_ =	task.clear_ibuf [dreg:s8], $0x6FFFF;
	_ =	strace $0x90000046  }
0xb9: {  	s29 =	simm.s32 $0x9;
	_ =	strace $0x80000048  }
0xba: {  	_ =	swait.ge [sflag:s29], $0x1  }
0xbb: {  	[sflag:s29] =	ssyncadd.s32 $0xFFFFFFFF  }
0xbc: {  	_ =	strace $0x90000048  }
0xbd: {  	_ =	sfence  }
0xbe: {  	s30 =	sld [smem:$0x0];
	_ =	sdelay $0x2  }
0xbf: {  	s31 =	sshll.u32 s1, $0xD;
	s1 =	sshrl.u32 s1, $0x2  }
0xc0: {  	s3 =	sand.u32 $0x4000, s31;
	s1 =	sadd.s32 s1, s30  }
0xc1: {  	s0 =	sor.u32 s3, s0;
	s1 =	sshll.u32 s1, $0x11  }
0xc2: {  	s0 =	sor.u32 s1, s0  }
0xc3: {  	s0 =	sadd.s32 $0x8F2B, s0  }
0xc4: {  	[sflag:s0] =	ssyncadd.remote.s32 $0x1  }
0xc5: {  	_ =	sfence.sel $0xFFFF  }
0xc6: {  	[dreg:$0x0] =	wrdreg $0xFFFFFFFF;
	(pc) =	sbr.abs _section_cstart, $3  }
0xc7: {  	[dreg:$0x1] =	wrdreg $0xFFFFFFFF  }
0xc8: {  	_ =	task.clear_ibuf [dreg:s8], $0x2FFFF;
	_ =	strace $0x9FFFFFFF  }
0xc9: {  	(tm) =	ssettm $0x7FFFFFFF  }
tec
execute0_lowered:
.L_overlay_start_1:
0x0: {  	(tag) =	ssettag $0x1  }
0x1: {  	s1 =	rddreg [dreg:$0x0]  }
0x2: {  	s2 =	srdreg.scid;
	s4 =	rddreg [dreg:$0x1]  }
0x3: {  	s0 =	stileid.u32;
	s3 =	simm.s32 $0x0;
	s8 =	simm.s32 $0x80  }
0x4: {  	s26 =	simm.s32 $0x880;
	s9 =	simm.s32 $0x1080;
	s10 =	simm.s32 $0x1880  }
0x5: {  	s11 =	simm.s32 $0x2080;
	s12 =	simm.s32 $0x2880;
	s13 =	simm.s32 $0x3080  }
0x6: {  	s14 =	simm.s32 $0x3880;
	s15 =	simm.s32 $0x4080;
	s16 =	simm.s32 $0x4880  }
0x7: {  	s17 =	simm.s32 $0x5080;
	s18 =	simm.s32 $0x5880;
	s19 =	simm.s32 $0x6080  }
0x8: {  	s20 =	simm.s32 $0x6880;
	s21 =	simm.s32 $0x7080;
	s22 =	simm.s32 $0x7880  }
0x9: {  	s23 =	simm.s32 $0x8080;
	s28 =	simm.s32 $0xA080;
	s29 =	simm.s32 $0xA880  }
0xa: {  	s30 =	simm.s32 $0xB080;
	s5 =	sand.u32 $0x1, s2;
	s2 =	rddreg [dreg:$0x2]  }
0xb: {  	s31 =	simm.s32 $0xB880;
	s6 =	sshll.u32 s0, $0x4;
	[smem:$0x7FF] =	sst s3  }
0xc: {  	s7 =	sshll.u32 s5, $0x3;
	_ =	strace $0x80000047;
	s5 =	ssub.s32 $0x2, s5  }
0xd: {  	[dreg:$0x6] =	wrdreg s26;
	s26 =	simm.s32 $0x9880;
	s6 =	sor.u32 s7, s6  }
0xe: {  	s24 =	sshrl.u32 s5, $0x1;
	s7 =	simm.s32 $0x2;
	s4 =	sadd.s32 s6, s4  }
0xf: {  	s6 =	smul.u32 $0x300, s6;
	s25 =	ssub.s32 s5, s24;
	s4 =	sadd.s32 $0x1400, s4  }
0x10: {  	v2 =	vlaneseq.u32;
	s5 =	sadd.s32 $0x200, s2;
	s24 =	simm.s32 $0x8880;
	[dreg:$0x4] =	wrdreg s4  }
0x11: {  	vm0 =	vmmov $0xffff;
	v1 =	vshrl.u32 v2, $0x3;
	s1 =	sadd.s32 s1, s6;
	s4 =	sadd.s32 $0x100, s2;
	s6 =	smax.u32 s25, $0x1  }
0x12: {  	v0 =	vand.u32 $0x7, v2;
	v2 =	vor.u32 $0x8, v2;
	v1 =	vmul.u32 $0x8, v1;
	s25 =	simm.s32 $0x9080;
	[dreg:$0x5] =	wrdreg s1;
	s1 =	simm.s32 $0x1  }
.LBB2_1:
0x13: {  	s0 =	rddreg [dreg:$0x4]  }
0x14: {  	[tilespmem:s3], [sflag:$0x2] =	stream.linear.gather [hbm4b:s0+s3], $0x40, $0x38;
	[tilespmem:$0xC080] =	vst v63  }
0x15: {  	_ =	swait.ge [sflag:s7], $0x40  }
0x16: {  	[sflag:s7] =	ssyncset.done $0x0  }
0x17: {  	s0 =	rddreg [dreg:$0x5];
	[sflag:s7] =	ssyncadd.s32 $0xFFFFFFC0  }
0x18: {  	[tilespmem:s8], [sflag:$0x2] =	stream.linear.gather [hbm4b:s0+s3], $0xC000, $0x38;
	[tilespmem:$0xC080] =	vst v63  }
0x19: {  	_ =	swait.ge [sflag:s7], $0xC000  }
0x1a: {  	[sflag:s7] =	ssyncset.done $0x0  }
0x1b: {  	[sflag:s7] =	ssyncadd.s32 $0xFFFF4000  }
0x1c: {  	v3 =	vld [tilespmem:$0x0];
	_ =	sdelay $0x4  }
0x1d: {  	v4 =	vshrl.u32 v3, $0x3  }
0x1e: {  	v4 =	vmul.u32 $0x30, v4  }
0x1f: {  	v3 =	vand.u32 $0x7, v3  }
0x20: {  	v3 =	vor.u32 v3, v4  }
0x21: {  	v4 =	vperm.xlane v3, v0;
	_ =	sdelay $0x1  }
0x22: {  	v4 =	vadd.s32 v1, v4;
	_ =	sdelay $0x3  }
0x23: {  	v3 =	vperm.xlane v3, v2  }
0x24: {  	[hbm4b:s2+s3] =	stream.indirect_vreg.scatter [tilespmem:s8], [sflag:$0x1], $0x80, v4, vm0, $0xb8;
	[tilespmem:$0xC080] =	vst v63  }
0x25: {  	s0 =	rddreg [dreg:$0x6];
	v3 =	vadd.s32 v1, v3  }
0x26: {  	[hbm4b:s4+s3] =	stream.indirect_vreg.scatter [tilespmem:s0], [sflag:$0x1], $0x80, v4, vm0, $0xb8;
	[tilespmem:$0xC080] =	vst v63  }
0x27: {  	_ = 	snop  }
0x28: {  	[hbm4b:s5+s3] =	stream.indirect_vreg.scatter [tilespmem:s9], [sflag:$0x1], $0x80, v4, vm0, $0xb8;
	[tilespmem:$0xC080] =	vst v63  }
0x29: {  	_ = 	snop  }
0x2a: {  	[hbm4b:s2+s3] =	stream.indirect_vreg.scatter [tilespmem:s10], [sflag:$0x1], $0x80, v3, vm0, $0xb8;
	[tilespmem:$0xC080] =	vst v63  }
0x2b: {  	_ = 	snop  }
0x2c: {  	[hbm4b:s4+s3] =	stream.indirect_vreg.scatter [tilespmem:s11], [sflag:$0x1], $0x80, v3, vm0, $0xb8;
	[tilespmem:$0xC080] =	vst v63  }
0x2d: {  	_ = 	snop  }
0x2e: {  	[hbm4b:s5+s3] =	stream.indirect_vreg.scatter [tilespmem:s12], [sflag:$0x1], $0x80, v3, vm0, $0xb8;
	[tilespmem:$0xC080] =	vst v63  }
0x2f: {  	v3 =	vld [tilespmem:$0x10];
	_ =	sdelay $0x4  }
0x30: {  	v61 =	vshrl.u32 v3, $0x3  }
0x31: {  	v4 =	vmul.u32 $0x30, v61  }
0x32: {  	v3 =	vand.u32 $0x7, v3  }
0x33: {  	v3 =	vor.u32 v3, v4  }
0x34: {  	v4 =	vperm.xlane v3, v0;
	_ =	sdelay $0x1  }
0x35: {  	v4 =	vadd.s32 v1, v4;
	_ =	sdelay $0x3  }
0x36: {  	v3 =	vperm.xlane v3, v2  }
0x37: {  	[hbm4b:s2+s3] =	stream.indirect_vreg.scatter [tilespmem:s13], [sflag:$0x1], $0x80, v4, vm0, $0xb8;
	[tilespmem:$0xC080] =	vst v63  }
0x38: {  	v3 =	vadd.s32 v1, v3  }
0x39: {  	[hbm4b:s4+s3] =	stream.indirect_vreg.scatter [tilespmem:s14], [sflag:$0x1], $0x80, v4, vm0, $0xb8;
	[tilespmem:$0xC080] =	vst v63  }
0x3a: {  	_ = 	snop  }
0x3b: {  	[hbm4b:s5+s3] =	stream.indirect_vreg.scatter [tilespmem:s15], [sflag:$0x1], $0x80, v4, vm0, $0xb8;
	[tilespmem:$0xC080] =	vst v63  }
0x3c: {  	_ = 	snop  }
0x3d: {  	[hbm4b:s2+s3] =	stream.indirect_vreg.scatter [tilespmem:s16], [sflag:$0x1], $0x80, v3, vm0, $0xb8;
	[tilespmem:$0xC080] =	vst v63  }
0x3e: {  	_ = 	snop  }
0x3f: {  	[hbm4b:s4+s3] =	stream.indirect_vreg.scatter [tilespmem:s17], [sflag:$0x1], $0x80, v3, vm0, $0xb8;
	[tilespmem:$0xC080] =	vst v63  }
0x40: {  	_ = 	snop  }
0x41: {  	[hbm4b:s5+s3] =	stream.indirect_vreg.scatter [tilespmem:s18], [sflag:$0x1], $0x80, v3, vm0, $0xb8;
	[tilespmem:$0xC080] =	vst v63  }
0x42: {  	v3 =	vld [tilespmem:$0x20];
	_ =	sdelay $0x4  }
0x43: {  	v62 =	vshrl.u32 v3, $0x3  }
0x44: {  	v4 =	vmul.u32 $0x30, v62  }
0x45: {  	v3 =	vand.u32 $0x7, v3  }
0x46: {  	v3 =	vor.u32 v3, v4  }
0x47: {  	v4 =	vperm.xlane v3, v0;
	_ =	sdelay $0x1  }
0x48: {  	v4 =	vadd.s32 v1, v4;
	_ =	sdelay $0x3  }
0x49: {  	v3 =	vperm.xlane v3, v2  }
0x4a: {  	[hbm4b:s2+s3] =	stream.indirect_vreg.scatter [tilespmem:s19], [sflag:$0x1], $0x80, v4, vm0, $0xb8;
	[tilespmem:$0xC080] =	vst v63  }
0x4b: {  	v3 =	vadd.s32 v1, v3  }
0x4c: {  	[hbm4b:s4+s3] =	stream.indirect_vreg.scatter [tilespmem:s20], [sflag:$0x1], $0x80, v4, vm0, $0xb8;
	[tilespmem:$0xC080] =	vst v63  }
0x4d: {  	_ = 	snop  }
0x4e: {  	[hbm4b:s5+s3] =	stream.indirect_vreg.scatter [tilespmem:s21], [sflag:$0x1], $0x80, v4, vm0, $0xb8;
	[tilespmem:$0xC080] =	vst v63  }
0x4f: {  	_ = 	snop  }
0x50: {  	[hbm4b:s2+s3] =	stream.indirect_vreg.scatter [tilespmem:s22], [sflag:$0x1], $0x80, v3, vm0, $0xb8;
	[tilespmem:$0xC080] =	vst v63  }
0x51: {  	_ = 	snop  }
0x52: {  	[hbm4b:s4+s3] =	stream.indirect_vreg.scatter [tilespmem:s23], [sflag:$0x1], $0x80, v3, vm0, $0xb8;
	[tilespmem:$0xC080] =	vst v63  }
0x53: {  	_ = 	snop  }
0x54: {  	[hbm4b:s5+s3] =	stream.indirect_vreg.scatter [tilespmem:s24], [sflag:$0x1], $0x80, v3, vm0, $0xb8;
	[tilespmem:$0xC080] =	vst v63  }
0x55: {  	v3 =	vld [tilespmem:$0x30];
	_ =	sdelay $0x4  }
0x56: {  	v63 =	vshrl.u32 v3, $0x3  }
0x57: {  	v4 =	vmul.u32 $0x30, v63  }
0x58: {  	v3 =	vand.u32 $0x7, v3  }
0x59: {  	v3 =	vor.u32 v3, v4  }
0x5a: {  	v4 =	vperm.xlane v3, v0;
	_ =	sdelay $0x1  }
0x5b: {  	v4 =	vadd.s32 v1, v4;
	_ =	sdelay $0x3  }
0x5c: {  	v3 =	vperm.xlane v3, v2  }
0x5d: {  	[hbm4b:s2+s3] =	stream.indirect_vreg.scatter [tilespmem:s25], [sflag:$0x1], $0x80, v4, vm0, $0xb8;
	[tilespmem:$0xC080] =	vst v63  }
0x5e: {  	v3 =	vadd.s32 v1, v3  }
0x5f: {  	[hbm4b:s4+s3] =	stream.indirect_vreg.scatter [tilespmem:s26], [sflag:$0x1], $0x80, v4, vm0, $0xb8;
	[tilespmem:$0xC080] =	vst v63  }
0x60: {  	_ = 	snop  }
0x61: {  	[hbm4b:s5+s3] =	stream.indirect_vreg.scatter [tilespmem:s28], [sflag:$0x1], $0x80, v4, vm0, $0xb8;
	[tilespmem:$0xC080] =	vst v63  }
0x62: {  	_ = 	snop  }
0x63: {  	[hbm4b:s2+s3] =	stream.indirect_vreg.scatter [tilespmem:s29], [sflag:$0x1], $0x80, v3, vm0, $0xb8;
	[tilespmem:$0xC080] =	vst v63  }
0x64: {  	p0 =	sne.s32 s6, $0x1  }
0x65: {  	[hbm4b:s4+s3] =	stream.indirect_vreg.scatter [tilespmem:s30], [sflag:$0x1], $0x80, v3, vm0, $0xb8;
	[tilespmem:$0xC080] =	vst v63  }
.Ltmp0:
0x66: {  	_ = 	snop;
	(pc) =	sbr.rel @p0 .LBB2_1-.Ltmp0, $4  }
0x67: {  	[hbm4b:s5+s3] =	stream.indirect_vreg.scatter [tilespmem:s31], [sflag:$0x1], $0x80, v3, vm0, $0xb8;
	[tilespmem:$0xC080] =	vst v63  }
0x68: {  	_ =	swait.ge [sflag:s1], $0xC000  }
0x69: {  	[sflag:s1] =	ssyncset.done $0x0  }
0x6a: {  	s6 =	sadd.s32 $0xFFFFFFFF, s6;
	[sflag:s1] =	ssyncadd.s32 $0xFFFF4000  }
0x6b: {  	_ =	sfence.sel $0x180000  }
0x6c: {  	[bflag:$0x0] =	sbarrier.arrive $0xFFFF  }
0x6d: {  	_ =	strace $0x90000047  }
0x6e: {  	s0 =	stileid.u32;
	[bflag:$0x2] =	sbarrier.arrive $0xFFFF  }
0x6f: {  	p0 =	sne.s32 s0, $0x0;
	s0 =	rddreg [dreg:$0x3]  }
0x70: {  	s0 =	sadd.s32 @!p0 $0x100000, s0  }
0x71: {  	[sflag:s0] =	ssyncadd.tile.s32 @!p0 $0x1;
	_ =	shalt  }
.Lfunc_end2:
_tile_overlayer_lowered:
.L_overlay_start_2:
0x72: {  	(tag) =	ssettag $0x2  }
0x73: {  	s0 =	rddreg [dreg:$0x0];
	s2 =	stileid.u32  }
0x74: {  	s1 =	rddreg [dreg:$0x1];
	p0 =	sne.s32 s2, $0x0  }
0x75: {  	s3 =	rddreg [dreg:$0x2];
	[bflag:$0x3] =	sbarrier.arrive $0xFFFF;
	s2 =	simm.s32 @!p0 $0x1C02  }
0x76: {  	[timem:s3], [sflag:s2] =	dma.local @!p0 [hbm:s0], s1  }
0x77: {  	s0 =	simm.s32 @!p0 $0x2  }
0x78: {  	_ =	swait.ge @!p0 [sflag:s0], s1  }
0x79: {  	s1 =	ssub.s32 @!p0 $0x0, s1;
	[sflag:s0] =	ssyncset.done @!p0 $0x0  }
0x7a: {  	[sflag:s0] =	ssyncadd.s32 @!p0 s1  }
0x7b: {  	[bflag:$0x3] =	sbarrier.arrive $0xFFFF  }
0x7c: {  	_ =	shalt  }

// kernel: kernel.9.cloned.1.call-start
scs
__scs_entry_jumppad:
0x0: {  	(pc) =	sbr.rel $0x88, $3  }
0x1: {  	(tag) =	ssettag $0x0;
	lr =	simm.s32 $0x1  }
0x2: {  	[smem:$0x3F9B] =	sst lr;
	_ =	strace $0xD0000000  }
0x3: {  	_ = 	snop  }
0x4: {  	_ = 	snop  }
0x5: {  	_ = 	snop  }
0x6: {  	_ = 	snop  }
0x7: {  	_ = 	snop  }
__scs_overlays_trampoline_lowered:
0x8: {  	[smem:$0x3FAA] =	sst s0  }
0x9: {  	[smem:$0x3FAB] =	sst s1  }
0xa: {  	[smem:$0x3FAC] =	sst s2  }
0xb: {  	[smem:$0x3FAD] =	sst s3  }
0xc: {  	[smem:$0x3FAE] =	sst s4  }
0xd: {  	[smem:$0x3FAF] =	sst s5  }
0xe: {  	[smem:$0x3FB0] =	sst s6  }
0xf: {  	[smem:$0x3FB1] =	sst s7  }
0x10: {  	[smem:$0x3FB2] =	sst s8  }
0x11: {  	[smem:$0x3FB3] =	sst s9;
	s0 =	simm.s32 @!p0 $0x0  }
0x12: {  	s1 =	sld [smem:$0x3F99];
	s0 =	simm.s32 @p0 $0x1  }
0x13: {  	[smem:$0x3FB4] =	sst s0;
	s0 =	simm.s32 @!p1 $0x0  }
0x14: {  	s2 =	sld [smem:$0x3F98];
	s0 =	simm.s32 @p1 $0x1  }
0x15: {  	[smem:$0x3FB5] =	sst s0;
	s0 =	simm.s32 @!p2 $0x0  }
0x16: {  	s3 =	sld [smem:$0x3FDB];
	s0 =	simm.s32 @p2 $0x1  }
0x17: {  	s4 =	simm.s32 $0x1BF5;
	[smem:$0x3FB7] =	sst s0  }
0x18: {  	s0 =	sld [smem:$0x3F9A];
	_ =	swait.ge [sflag:s4], $0x0  }
0x19: {  	s7 =	sld [smem:$0x3F9B]  }
0x1a: {  	s8 =	sadd.s32 $0xFFFFE003, lr  }
0x1b: {  	s9 =	sadd.s32 $0xFFFFFEF7, lr;
	s5 =	simm.s32 $0xFFFFFFFF;
	p2 =	slt.u32 s8, $0xFFFFF086  }
0x1c: {  	p1 =	slt.u32 s9, $0xF7A;
	s5 =	simm.s32 @!p2 $0x0  }
0x1d: {  	s5 =	simm.s32 @p1 $0x1;
	p0 =	seq.s32 s7, s2  }
0x1e: {  	s7 =	smul.u32 @!p0 $0xF7A, s2;
	p2 =	seq.s32 @!p0 s5, $0x0  }
0x1f: {  	s9 =	smul.u32 $0xF7A, s1;
	s8 =	simm.s32 @!p0 $0x1BF5;
	p2 =	por !p2, p0  }
0x20: {  	[sflag:s8] =	ssyncset.s32 @!p0 $0xFFFFF086;
	s6 =	sadd.s32 @!p0 s3, s7;
	s7 =	simm.s32 @!p0 $0x108  }
0x21: {  	s3 =	sadd.s32 s3, s9;
	s6 =	sadd.s32 @!p0 $0x88, s6;
	s7 =	simm.s32 @p2 $0x1082  }
0x22: {  	[simem:s7], [sflag:s8] =	dma.local @!p0 [hbm:s6], $0xF7A  }
0x23: {  	s9 =	sor.u32 $0xD0000000, s2;
	s6 =	simm.s32 $0x108;
	_ =	swait.ge @!p0 [sflag:s8], $0x0  }
0x24: {  	s3 =	sadd.s32 $0x88, s3;
	s6 =	simm.s32 @!p1 $0x1082;
	[sflag:s4] =	ssyncset.s32 $0xFFFFF086  }
0x25: {  	[simem:s6], [sflag:s4] =	dma.local [hbm:s3], $0xF7A  }
0x26: {  	[smem:$0x3F9B] =	sst s1;
	(tag) =	ssettag s2;
	_ =	strace s9  }
0x27: {  	s1 =	sld [smem:$0x3FAB]  }
0x28: {  	s2 =	sld [smem:$0x3FAC]  }
0x29: {  	s4 =	sld [smem:$0x3FAE]  }
0x2a: {  	p0 =	seq.s32 s5, $0x0;
	s5 =	sld [smem:$0x3FAF]  }
0x2b: {  	s6 =	sld [smem:$0x3FB0]  }
0x2c: {  	s7 =	sld [smem:$0x3FB1]  }
0x2d: {  	s3 =	simm.s32 $0x108;
	s8 =	sld [smem:$0x3FB2]  }
0x2e: {  	s3 =	simm.s32 @!p0 $0x1082;
	s9 =	sld [smem:$0x3FB3]  }
0x2f: {  	lr =	sadd.s32 s0, s3;
	s0 =	sld [smem:$0x3FAA]  }
0x30: {  	s3 =	sld [smem:$0x3FAD]  }
0x31: {  	[smem:$0x3FB6] =	sst s10  }
0x32: {  	s10 =	sld [smem:$0x3FB4];
	_ =	sdelay $0x3  }
0x33: {  	p0 =	seq.s32 s10, $0x1;
	s10 =	sld [smem:$0x3FB6];
	_ =	sdelay $0x3  }
0x34: {  	[smem:$0x3FB6] =	sst s10  }
0x35: {  	s10 =	sld [smem:$0x3FB5];
	_ =	sdelay $0x3  }
0x36: {  	p1 =	seq.s32 s10, $0x1;
	s10 =	sld [smem:$0x3FB6];
	_ =	sdelay $0x3  }
0x37: {  	[smem:$0x3FB6] =	sst s10  }
0x38: {  	s10 =	sld [smem:$0x3FB7]  }
0x39: {  	_ = 	snop;
	(pc) =	sbr.ind lr, $3  }
0x3a: {  	_ = 	snop  }
0x3b: {  	_ = 	snop  }
0x3c: {  	p2 =	seq.s32 s10, $0x1;
	s10 =	sld [smem:$0x3FB6]  }
0x3d: {  	_ =	shalt  }
0x3e: {  	_ =	shalt  }
0x3f: {  	_ =	shalt  }
0x40: {  	_ =	shalt  }
0x41: {  	_ =	shalt  }
0x42: {  	_ =	shalt  }
0x43: {  	_ =	shalt  }
0x44: {  	_ =	shalt  }
0x45: {  	_ =	shalt  }
0x46: {  	_ =	shalt  }
0x47: {  	_ =	shalt  }
0x48: {  	_ =	shalt  }
0x49: {  	_ =	shalt  }
0x4a: {  	_ =	shalt  }
0x4b: {  	_ =	shalt  }
0x4c: {  	_ =	shalt  }
0x4d: {  	_ =	shalt  }
0x4e: {  	_ =	shalt  }
0x4f: {  	_ =	shalt  }
0x50: {  	_ =	shalt  }
0x51: {  	_ =	shalt  }
0x52: {  	_ =	shalt  }
0x53: {  	_ =	shalt  }
0x54: {  	_ =	shalt  }
0x55: {  	_ =	shalt  }
0x56: {  	_ =	shalt  }
0x57: {  	_ =	shalt  }
0x58: {  	_ =	shalt  }
0x59: {  	_ =	shalt  }
0x5a: {  	_ =	shalt  }
0x5b: {  	_ =	shalt  }
0x5c: {  	_ =	shalt  }
0x5d: {  	_ =	shalt  }
0x5e: {  	_ =	shalt  }
0x5f: {  	_ =	shalt  }
0x60: {  	_ =	shalt  }
0x61: {  	_ =	shalt  }
0x62: {  	_ =	shalt  }
0x63: {  	_ =	shalt  }
0x64: {  	_ =	shalt  }
0x65: {  	_ =	shalt  }
0x66: {  	_ =	shalt  }
0x67: {  	_ =	shalt  }
0x68: {  	_ =	shalt  }
0x69: {  	_ =	shalt  }
0x6a: {  	_ =	shalt  }
0x6b: {  	_ =	shalt  }
0x6c: {  	_ =	shalt  }
0x6d: {  	_ =	shalt  }
0x6e: {  	_ =	shalt  }
0x6f: {  	_ =	shalt  }
0x70: {  	_ =	shalt  }
0x71: {  	_ =	shalt  }
0x72: {  	_ =	shalt  }
0x73: {  	_ =	shalt  }
0x74: {  	_ =	shalt  }
0x75: {  	_ =	shalt  }
0x76: {  	_ =	shalt  }
0x77: {  	_ =	shalt  }
0x78: {  	_ =	shalt  }
0x79: {  	_ =	shalt  }
0x7a: {  	_ =	shalt  }
0x7b: {  	_ =	shalt  }
0x7c: {  	_ =	shalt  }
0x7d: {  	_ =	shalt  }
0x7e: {  	_ =	shalt  }
0x7f: {  	_ =	shalt  }
0x80: {  	_ =	shalt  }
0x81: {  	_ =	shalt  }
0x82: {  	_ =	shalt  }
0x83: {  	_ =	shalt  }
0x84: {  	_ =	shalt  }
0x85: {  	_ =	shalt  }
0x86: {  	_ =	shalt  }
0x87: {  	_ =	shalt  }
.Lfunc_end0:
.L_simem_size_0:
called_computation.1_lowered:
.L_overlay_start_0:
0x88: {  	s2 =	sld [smem:$0x3FD9]  }
0x89: {  	s3 =	sld [smem:$0x3FFE];
	_ =	sdelay $0x1  }
0x8a: {  	s1 =	srdreg.scid  }
0x8b: {  	s0 =	sand.u32 $0x1, s1  }
0x8c: {  	s14 =	sshll.u32 s0, $0xA;
	s2 =	sadd.s32 s3, s2  }
0x8d: {  	s2 =	sadd.s32 s2, s14  }
0x8e: {  	[smem:$0x3FC2] =	sst s2  }
0x8f: {  	_ = 	snop  }
0x90: {  	s2 =	sld [smem:$0x3FD0];
	_ =	sdelay $0x2  }
0x91: {  	s15 =	simm.s32 $0xA;
	s4 =	simm.s32 $0x10  }
0x92: {  	[smem:s4], [sflag:s15] =	dma.local [hbm:s2], $0x1  }
0x93: {  	_ =	swait.eq [sflag:s15], $0x1  }
0x94: {  	[sflag:s15] =	ssyncset.done $0x0  }
0x95: {  	[sflag:s15] =	ssyncadd.s32 $0xFFFFFFFF  }
0x96: {  	s16 =	sld [smem:$0x10];
	(tm) =	ssettm $0x1  }
0x97: {  	s17 =	sld [smem:$0x3FFB];
	_ =	sdelay $0x3  }
0x98: {  	_ =	strace s17  }
0x99: {  	s3 =	sld [smem:$0x3FFC];
	_ =	sdelay $0x3  }
0x9a: {  	_ =	strace s3  }
0x9b: {  	s3 =	sld [smem:$0x3FFD];
	_ =	sdelay $0x3  }
0x9c: {  	_ =	strace s3  }
0x9d: {  	_ =	strace $0x8FFFFFFF  }
0x9e: {  	s18 =	sld [smem:$0x3FDB];
	_ =	sdelay $0x1  }
0x9f: {  	s19 =	simm.s32 $_scs_section_size  }
0xa0: {  	s5 =	simm.s32 $_size__tile_overlayer_lowered;
	s6 =	simm.s32 $_tile_overlayer_lowered  }
0xa1: {  	s22 =	simm.s32 $0x1BFF;
	s21 =	sshll.u32 s6, $0x1;
	s3 =	sadd.s32 s19, s18  }
0xa2: {  	s7 =	simm.s32 $0x0;
	s20 =	sshll.u32 s5, $0x1;
	s5 =	sadd.s32 s21, s3  }
0xa3: {  	[timem:s7], [sflag:s22] =	dma.local [hbm:s5], s20  }
0xa4: {  	_ =	swait.ge [sflag:s22], s20  }
0xa5: {  	s4 =	ssub.s32 $0x0, s20;
	[sflag:s22] =	ssyncset.done $0x0  }
0xa6: {  	[sflag:s22] =	ssyncadd.s32 s4;
	_ =	sdelay $0x1  }
0xa7: {  	s23 =	simm.s32 $0x1B8B  }
0xa8: {  	_ =	swait.ge [sflag:s23], $0x1  }
0xa9: {  	[sflag:s23] =	ssyncset.done $0x0  }
0xaa: {  	s25 =	simm.s32 $0x1B8E;
	s24 =	sld [smem:$0x3FFE];
	[sflag:s23] =	ssyncadd.s32 $0xFFFFFFFF  }
0xab: {  	s26 =	simm.s32 $execute0_lowered;
	[smem:$0x3FD2] =	sst s25  }
0xac: {  	s5 =	sshll.u32 s26, $0x1;
	_ =	strace $0x80000049;
	[dreg:$0x1] =	wrdreg $0xFFFFFFFF  }
0xad: {  	s28 =	simm.s32 $_size_execute0_lowered;
	s3 =	sadd.s32 s3, s5;
	[dreg:$0x0] =	wrdreg $0x0  }
0xae: {  	s5 =	sshll.u32 s28, $0x1;
	[dreg:$0x2] =	wrdreg s3  }
0xaf: {  	[dreg:$0x3] =	wrdreg s5  }
0xb0: {  	[dreg:$0x4] =	wrdreg $0xC0  }
0xb1: {  	_ =	task [dreg:s7], $0x5FFFF  }
0xb2: {  	[dreg:$0x1] =	wrdreg $0xFFFFFFFF  }
0xb3: {  	[dreg:$0x0] =	wrdreg $0x60  }
0xb4: {  	[dreg:$0x2] =	wrdreg s24  }
0xb5: {  	[dreg:$0x3] =	wrdreg s16  }
0xb6: {  	[dreg:$0x4] =	wrdreg $0x9  }
0xb7: {  	_ =	task.clear_ibuf [dreg:s7], $0x5FFFF;
	_ =	strace $0x90000049  }
0xb8: {  	s29 =	simm.s32 $0x9;
	_ =	strace $0x8000004B  }
0xb9: {  	_ =	swait.ge [sflag:s29], $0x1  }
0xba: {  	[sflag:s29] =	ssyncadd.s32 $0xFFFFFFFF  }
0xbb: {  	_ =	strace $0x9000004B  }
0xbc: {  	_ =	sfence  }
0xbd: {  	s30 =	sld [smem:$0x0];
	_ =	sdelay $0x2  }
0xbe: {  	s31 =	sshll.u32 s1, $0xD;
	s1 =	sshrl.u32 s1, $0x2  }
0xbf: {  	s3 =	sand.u32 $0x4000, s31;
	s1 =	sadd.s32 s1, s30  }
0xc0: {  	s0 =	sor.u32 s3, s0;
	s1 =	sshll.u32 s1, $0x11  }
0xc1: {  	s0 =	sor.u32 s1, s0  }
0xc2: {  	s0 =	sadd.s32 $0x8F2B, s0  }
0xc3: {  	[sflag:s0] =	ssyncadd.remote.s32 $0x1  }
0xc4: {  	_ =	sfence.sel $0xFFFF  }
0xc5: {  	[dreg:$0x0] =	wrdreg $0xFFFFFFFF;
	(pc) =	sbr.abs _section_cstart, $3  }
0xc6: {  	[dreg:$0x1] =	wrdreg $0xFFFFFFFF  }
0xc7: {  	_ =	task.clear_ibuf [dreg:s7], $0x2FFFF;
	_ =	strace $0x9FFFFFFF  }
0xc8: {  	(tm) =	ssettm $0x7FFFFFFF  }
0xc9: {  	_ =	shalt  }
tec
execute0_lowered:
.L_overlay_start_1:
0x0: {  	(tag) =	ssettag $0x1  }
0x1: {  	s0 =	rddreg [dreg:$0x0]  }
0x2: {  	s5 =	rddreg [dreg:$0x1];
	s3 =	srdreg.scid  }
0x3: {  	s2 =	simm.s32 $0x0;
	s1 =	stileid.u32;
	s26 =	simm.s32 $0x880  }
0x4: {  	s10 =	simm.s32 $0x1880;
	s11 =	simm.s32 $0x2080;
	s12 =	simm.s32 $0x2880  }
0x5: {  	s13 =	simm.s32 $0x3080;
	s14 =	simm.s32 $0x3880;
	s15 =	simm.s32 $0x4080  }
0x6: {  	s16 =	simm.s32 $0x4880;
	s17 =	simm.s32 $0x5080;
	s18 =	simm.s32 $0x5880  }
0x7: {  	s19 =	simm.s32 $0x6080;
	s20 =	simm.s32 $0x6880;
	s21 =	simm.s32 $0x7080  }
0x8: {  	s22 =	simm.s32 $0x7880;
	s28 =	simm.s32 $0xA080;
	s29 =	simm.s32 $0xA880  }
0x9: {  	s30 =	simm.s32 $0xB080;
	s31 =	simm.s32 $0xB880;
	s3 =	sand.u32 $0x1, s3  }
0xa: {  	[smem:$0x7FF] =	sst s2;
	s4 =	sshll.u32 s1, $0x4;
	s6 =	sshll.u32 s3, $0x3  }
0xb: {  	_ =	strace $0x8000004A;
	s23 =	ssub.s32 $0x2, s3;
	s3 =	sadd.s32 $0x1600, s0  }
0xc: {  	[dreg:$0x5] =	wrdreg s26;
	s26 =	simm.s32 $0x9880;
	s4 =	sor.u32 s6, s4  }
0xd: {  	s8 =	sshrl.u32 s23, $0x1;
	s7 =	sadd.s32 s4, s0;
	s9 =	smul.u32 $0x300, s4  }
0xe: {  	s6 =	ssub.s32 s23, s8;
	s4 =	sadd.s32 $0x1700, s0;
	s8 =	simm.s32 $0x80  }
0xf: {  	s23 =	simm.s32 $0x8080;
	s24 =	sadd.s32 $0x1400, s7;
	s6 =	smax.u32 s6, $0x1  }
0x10: {  	v2 =	vlaneseq.u32;
	s7 =	simm.s32 $0x2;
	[dreg:$0x3] =	wrdreg s24;
	s25 =	sadd.s32 s5, s9  }
0x11: {  	vm0 =	vmmov $0xffff;
	v1 =	vshrl.u32 v2, $0x3;
	s5 =	sadd.s32 $0x1800, s0;
	s9 =	simm.s32 $0x1080;
	s24 =	simm.s32 $0x8880  }
0x12: {  	v0 =	vand.u32 $0x7, v2;
	v2 =	vor.u32 $0x8, v2;
	v1 =	vmul.u32 $0x8, v1;
	s0 =	simm.s32 $0x1;
	[dreg:$0x4] =	wrdreg s25;
	s25 =	simm.s32 $0x9080  }
.LBB2_1:
0x13: {  	s1 =	rddreg [dreg:$0x3]  }
0x14: {  	[tilespmem:s2], [sflag:$0x2] =	stream.linear.gather [hbm4b:s1+s2], $0x40, $0x38;
	[tilespmem:$0xC080] =	vst v63  }
0x15: {  	_ =	swait.ge [sflag:s7], $0x40  }
0x16: {  	[sflag:s7] =	ssyncset.done $0x0  }
0x17: {  	[sflag:s7] =	ssyncadd.s32 $0xFFFFFFC0  }
0x18: {  	v3 =	vld [tilespmem:$0x0];
	_ =	sdelay $0x4  }
0x19: {  	v4 =	vshrl.u32 v3, $0x3  }
0x1a: {  	v4 =	vmul.u32 $0x30, v4  }
0x1b: {  	v3 =	vand.u32 $0x7, v3  }
0x1c: {  	v3 =	vor.u32 v3, v4  }
0x1d: {  	v4 =	vperm.xlane v3, v0;
	_ =	sdelay $0x1  }
0x1e: {  	v4 =	vadd.s32 v1, v4;
	_ =	sdelay $0x3  }
0x1f: {  	v3 =	vperm.xlane v3, v2  }
0x20: {  	[tilespmem:s8], [sflag:$0x1] =	stream.indirect_vreg.gather [hbm4b:s3+s2], $0x80, v4, vm0, $0xb8;
	[tilespmem:$0xC080] =	vst v63  }
0x21: {  	s1 =	rddreg [dreg:$0x5];
	v3 =	vadd.s32 v1, v3  }
0x22: {  	[tilespmem:s1], [sflag:$0x1] =	stream.indirect_vreg.gather [hbm4b:s4+s2], $0x80, v4, vm0, $0xb8;
	[tilespmem:$0xC080] =	vst v63  }
0x23: {  	_ = 	snop  }
0x24: {  	[tilespmem:s9], [sflag:$0x1] =	stream.indirect_vreg.gather [hbm4b:s5+s2], $0x80, v4, vm0, $0xb8;
	[tilespmem:$0xC080] =	vst v63  }
0x25: {  	_ = 	snop  }
0x26: {  	[tilespmem:s10], [sflag:$0x1] =	stream.indirect_vreg.gather [hbm4b:s3+s2], $0x80, v3, vm0, $0xb8;
	[tilespmem:$0xC080] =	vst v63  }
0x27: {  	_ = 	snop  }
0x28: {  	[tilespmem:s11], [sflag:$0x1] =	stream.indirect_vreg.gather [hbm4b:s4+s2], $0x80, v3, vm0, $0xb8;
	[tilespmem:$0xC080] =	vst v63  }
0x29: {  	_ = 	snop  }
0x2a: {  	[tilespmem:s12], [sflag:$0x1] =	stream.indirect_vreg.gather [hbm4b:s5+s2], $0x80, v3, vm0, $0xb8;
	[tilespmem:$0xC080] =	vst v63  }
0x2b: {  	v3 =	vld [tilespmem:$0x10];
	_ =	sdelay $0x4  }
0x2c: {  	v61 =	vshrl.u32 v3, $0x3  }
0x2d: {  	v4 =	vmul.u32 $0x30, v61  }
0x2e: {  	v3 =	vand.u32 $0x7, v3  }
0x2f: {  	v3 =	vor.u32 v3, v4  }
0x30: {  	v4 =	vperm.xlane v3, v0;
	_ =	sdelay $0x1  }
0x31: {  	v4 =	vadd.s32 v1, v4;
	_ =	sdelay $0x3  }
0x32: {  	v3 =	vperm.xlane v3, v2  }
0x33: {  	[tilespmem:s13], [sflag:$0x1] =	stream.indirect_vreg.gather [hbm4b:s3+s2], $0x80, v4, vm0, $0xb8;
	[tilespmem:$0xC080] =	vst v63  }
0x34: {  	v3 =	vadd.s32 v1, v3  }
0x35: {  	[tilespmem:s14], [sflag:$0x1] =	stream.indirect_vreg.gather [hbm4b:s4+s2], $0x80, v4, vm0, $0xb8;
	[tilespmem:$0xC080] =	vst v63  }
0x36: {  	_ = 	snop  }
0x37: {  	[tilespmem:s15], [sflag:$0x1] =	stream.indirect_vreg.gather [hbm4b:s5+s2], $0x80, v4, vm0, $0xb8;
	[tilespmem:$0xC080] =	vst v63  }
0x38: {  	_ = 	snop  }
0x39: {  	[tilespmem:s16], [sflag:$0x1] =	stream.indirect_vreg.gather [hbm4b:s3+s2], $0x80, v3, vm0, $0xb8;
	[tilespmem:$0xC080] =	vst v63  }
0x3a: {  	_ = 	snop  }
0x3b: {  	[tilespmem:s17], [sflag:$0x1] =	stream.indirect_vreg.gather [hbm4b:s4+s2], $0x80, v3, vm0, $0xb8;
	[tilespmem:$0xC080] =	vst v63  }
0x3c: {  	_ = 	snop  }
0x3d: {  	[tilespmem:s18], [sflag:$0x1] =	stream.indirect_vreg.gather [hbm4b:s5+s2], $0x80, v3, vm0, $0xb8;
	[tilespmem:$0xC080] =	vst v63  }
0x3e: {  	v3 =	vld [tilespmem:$0x20];
	_ =	sdelay $0x4  }
0x3f: {  	v62 =	vshrl.u32 v3, $0x3  }
0x40: {  	v4 =	vmul.u32 $0x30, v62  }
0x41: {  	v3 =	vand.u32 $0x7, v3  }
0x42: {  	v3 =	vor.u32 v3, v4  }
0x43: {  	v4 =	vperm.xlane v3, v0;
	_ =	sdelay $0x1  }
0x44: {  	v4 =	vadd.s32 v1, v4;
	_ =	sdelay $0x3  }
0x45: {  	v3 =	vperm.xlane v3, v2  }
0x46: {  	[tilespmem:s19], [sflag:$0x1] =	stream.indirect_vreg.gather [hbm4b:s3+s2], $0x80, v4, vm0, $0xb8;
	[tilespmem:$0xC080] =	vst v63  }
0x47: {  	v3 =	vadd.s32 v1, v3  }
0x48: {  	[tilespmem:s20], [sflag:$0x1] =	stream.indirect_vreg.gather [hbm4b:s4+s2], $0x80, v4, vm0, $0xb8;
	[tilespmem:$0xC080] =	vst v63  }
0x49: {  	_ = 	snop  }
0x4a: {  	[tilespmem:s21], [sflag:$0x1] =	stream.indirect_vreg.gather [hbm4b:s5+s2], $0x80, v4, vm0, $0xb8;
	[tilespmem:$0xC080] =	vst v63  }
0x4b: {  	_ = 	snop  }
0x4c: {  	[tilespmem:s22], [sflag:$0x1] =	stream.indirect_vreg.gather [hbm4b:s3+s2], $0x80, v3, vm0, $0xb8;
	[tilespmem:$0xC080] =	vst v63  }
0x4d: {  	_ = 	snop  }
0x4e: {  	[tilespmem:s23], [sflag:$0x1] =	stream.indirect_vreg.gather [hbm4b:s4+s2], $0x80, v3, vm0, $0xb8;
	[tilespmem:$0xC080] =	vst v63  }
0x4f: {  	_ = 	snop  }
0x50: {  	[tilespmem:s24], [sflag:$0x1] =	stream.indirect_vreg.gather [hbm4b:s5+s2], $0x80, v3, vm0, $0xb8;
	[tilespmem:$0xC080] =	vst v63  }
0x51: {  	v3 =	vld [tilespmem:$0x30];
	_ =	sdelay $0x4  }
0x52: {  	v63 =	vshrl.u32 v3, $0x3  }
0x53: {  	v4 =	vmul.u32 $0x30, v63  }
0x54: {  	v3 =	vand.u32 $0x7, v3  }
0x55: {  	v3 =	vor.u32 v3, v4  }
0x56: {  	v4 =	vperm.xlane v3, v0;
	_ =	sdelay $0x1  }
0x57: {  	v4 =	vadd.s32 v1, v4;
	_ =	sdelay $0x3  }
0x58: {  	v3 =	vperm.xlane v3, v2  }
0x59: {  	[tilespmem:s25], [sflag:$0x1] =	stream.indirect_vreg.gather [hbm4b:s3+s2], $0x80, v4, vm0, $0xb8;
	[tilespmem:$0xC080] =	vst v63  }
0x5a: {  	v3 =	vadd.s32 v1, v3  }
0x5b: {  	[tilespmem:s26], [sflag:$0x1] =	stream.indirect_vreg.gather [hbm4b:s4+s2], $0x80, v4, vm0, $0xb8;
	[tilespmem:$0xC080] =	vst v63  }
0x5c: {  	_ = 	snop  }
0x5d: {  	[tilespmem:s28], [sflag:$0x1] =	stream.indirect_vreg.gather [hbm4b:s5+s2], $0x80, v4, vm0, $0xb8;
	[tilespmem:$0xC080] =	vst v63  }
0x5e: {  	_ = 	snop  }
0x5f: {  	[tilespmem:s29], [sflag:$0x1] =	stream.indirect_vreg.gather [hbm4b:s3+s2], $0x80, v3, vm0, $0xb8;
	[tilespmem:$0xC080] =	vst v63  }
0x60: {  	_ = 	snop  }
0x61: {  	[tilespmem:s30], [sflag:$0x1] =	stream.indirect_vreg.gather [hbm4b:s4+s2], $0x80, v3, vm0, $0xb8;
	[tilespmem:$0xC080] =	vst v63  }
0x62: {  	_ = 	snop  }
0x63: {  	[tilespmem:s31], [sflag:$0x1] =	stream.indirect_vreg.gather [hbm4b:s5+s2], $0x80, v3, vm0, $0xb8;
	[tilespmem:$0xC080] =	vst v63  }
0x64: {  	_ =	swait.ge [sflag:s0], $0xC000  }
0x65: {  	p0 =	sne.s32 s6, $0x1;
	[sflag:s0] =	ssyncset.done $0x0  }
.Ltmp0:
0x66: {  	s1 =	rddreg [dreg:$0x4];
	[sflag:s0] =	ssyncadd.s32 $0xFFFF4000;
	(pc) =	sbr.rel @p0 .LBB2_1-.Ltmp0, $4  }
0x67: {  	[hbm4b:s1+s2] =	stream.linear.scatter [tilespmem:s8], [sflag:$0x2], $0xC000, $0x38;
	[tilespmem:$0xC080] =	vst v63  }
0x68: {  	_ =	swait.ge [sflag:s7], $0xC000  }
0x69: {  	[sflag:s7] =	ssyncset.done $0x0  }
0x6a: {  	s6 =	sadd.s32 $0xFFFFFFFF, s6;
	[sflag:s7] =	ssyncadd.s32 $0xFFFF4000  }
0x6b: {  	_ =	sfence.sel $0x180000  }
0x6c: {  	[bflag:$0x0] =	sbarrier.arrive $0xFFFF  }
0x6d: {  	_ =	strace $0x9000004A  }
0x6e: {  	s0 =	stileid.u32;
	[bflag:$0x2] =	sbarrier.arrive $0xFFFF  }
0x6f: {  	p0 =	sne.s32 s0, $0x0;
	s0 =	rddreg [dreg:$0x2]  }
0x70: {  	s0 =	sadd.s32 @!p0 $0x100000, s0  }
0x71: {  	[sflag:s0] =	ssyncadd.tile.s32 @!p0 $0x1;
	_ =	shalt  }
.Lfunc_end2:
_tile_overlayer_lowered:
.L_overlay_start_2:
0x72: {  	(tag) =	ssettag $0x2  }
0x73: {  	s0 =	rddreg [dreg:$0x0];
	s2 =	stileid.u32  }
0x74: {  	s1 =	rddreg [dreg:$0x1];
	p0 =	sne.s32 s2, $0x0  }
0x75: {  	s3 =	rddreg [dreg:$0x2];
	[bflag:$0x3] =	sbarrier.arrive $0xFFFF;
	s2 =	simm.s32 @!p0 $0x1C02  }
0x76: {  	[timem:s3], [sflag:s2] =	dma.local @!p0 [hbm:s0], s1  }
0x77: {  	s0 =	simm.s32 @!p0 $0x2  }
0x78: {  	_ =	swait.ge @!p0 [sflag:s0], s1  }
0x79: {  	s1 =	ssub.s32 @!p0 $0x0, s1;
	[sflag:s0] =	ssyncset.done @!p0 $0x0  }
0x7a: {  	[sflag:s0] =	ssyncadd.s32 @!p0 s1  }
0x7b: {  	[bflag:$0x3] =	sbarrier.arrive $0xFFFF  }
0x7c: {  	_ =	shalt  }

</sc_bundles>
